<compile_context>
chip_gen: v7x
topology: tpu7x:2x2x1
jax: 0.10.2.dev20260603
libtpu: 0.0.44.dev20260713+nightly
codegen_flags: <defaults>
</compile_context>

<pallas_src>
import functools

import jax
import jax.numpy as jnp
from jax import lax
from jax.experimental import pallas as pl
from jax.experimental.pallas import tpu as pltpu
from jax.experimental.pallas import tpu_sc as plsc

NUM_EXPERTS = 8
TOPK = 2
HIDDEN = 768
INTER = 3072
NUM_ROWS = 2048

BLK = 128
NB = (NUM_ROWS * TOPK) // BLK + (NUM_EXPERTS - 1)
S = NB * BLK

NW = 32
RPW = NUM_ROWS // NW

_NEG = -3.0e38
_HI = lax.Precision.HIGHEST


def _routing_body(rp_ref, pos0_ref, pos1_ref, p0_ref, p1_ref, be_ref, na_ref):
    i32 = jnp.int32
    r = rp_ref[...]
    iota_e = lax.broadcasted_iota(i32, r.shape, 1)

    m0 = jnp.max(r, axis=1, keepdims=True)
    e0 = jnp.min(jnp.where(r == m0, iota_e, NUM_EXPERTS), axis=1, keepdims=True)
    rm = jnp.where(iota_e == e0, _NEG, r)
    m1 = jnp.max(rm, axis=1, keepdims=True)
    e1 = jnp.min(jnp.where(rm == m1, iota_e, NUM_EXPERTS), axis=1, keepdims=True)

    p0 = 1.0 / (1.0 + jnp.exp(m1 - m0))
    p0_ref[...] = p0
    p1_ref[...] = 1.0 - p0

    oh0 = (iota_e == e0).astype(i32)
    oh1 = (iota_e == e1).astype(i32)

    def inc_cumsum(c):
        k = 1
        while k < NUM_ROWS:
            z = jnp.zeros((k, NUM_EXPERTS), i32)
            c = c + jnp.concatenate(
                [z, lax.slice(c, (0, 0), (NUM_ROWS - k, NUM_EXPERTS))], axis=0)
            k *= 2
        return c

    cum0 = inc_cumsum(oh0)
    cum1 = inc_cumsum(oh1)
    tot0 = lax.slice(cum0, (NUM_ROWS - 1, 0), (NUM_ROWS, NUM_EXPERTS))
    tot1 = lax.slice(cum1, (NUM_ROWS - 1, 0), (NUM_ROWS, NUM_EXPERTS))
    counts = tot0 + tot1
    padded = ((counts + (BLK - 1)) // BLK) * BLK

    def ex_cumsum_lanes(c):
        k = 1
        while k < NUM_EXPERTS:
            z = jnp.zeros((1, k), i32)
            c = c + jnp.concatenate(
                [z, lax.slice(c, (0, 0), (1, NUM_EXPERTS - k))], axis=1)
            k *= 2
        z = jnp.zeros((1, 1), i32)
        return jnp.concatenate(
            [z, lax.slice(c, (0, 0), (1, NUM_EXPERTS - 1))], axis=1)

    start = ex_cumsum_lanes(padded)
    nxt = start + padded

    start0 = jnp.sum(oh0 * start, axis=1, keepdims=True)
    start1 = jnp.sum(oh1 * (start + tot0), axis=1, keepdims=True)
    rank0 = jnp.sum(oh0 * (cum0 - oh0), axis=1, keepdims=True)
    rank1 = jnp.sum(oh1 * (cum1 - oh1), axis=1, keepdims=True)
    pos0_ref[...] = start0 + rank0
    pos1_ref[...] = start1 + rank1

    bi = lax.broadcasted_iota(i32, (NB, NUM_EXPERTS), 0) * BLK
    cmp = (bi >= nxt).astype(i32)
    be = jnp.sum(cmp, axis=1, keepdims=True)
    be_ref[...] = jnp.minimum(be, NUM_EXPERTS - 1)
    na_ref[...] = jnp.sum(padded, axis=1, keepdims=True) // BLK


@functools.lru_cache(maxsize=None)
def _sc_kernels():
    mesh = plsc.VectorSubcoreMesh(core_axis_name="c", subcore_axis_name="s")

    @functools.partial(
        pl.kernel,
        out_type=jax.ShapeDtypeStruct((S, HIDDEN), jnp.float32),
        mesh=mesh,
        scratch_types=[
            pltpu.VMEM((RPW,), jnp.int32),
            pltpu.VMEM((RPW,), jnp.int32),
            pltpu.VMEM((RPW, HIDDEN), jnp.float32),
            pltpu.SemaphoreType.DMA,
        ],
    )
    def dispatch(x_hbm, pos0_hbm, pos1_hbm, xs_hbm, i0_v, i1_v, rows_v, sem):
        wid = lax.axis_index("s") * 2 + lax.axis_index("c")
        base = wid * RPW
        pltpu.sync_copy(pos0_hbm.at[pl.ds(base, RPW)], i0_v)
        pltpu.sync_copy(pos1_hbm.at[pl.ds(base, RPW)], i1_v)
        pltpu.sync_copy(x_hbm.at[pl.ds(base, RPW)], rows_v)
        c0 = pltpu.async_copy(rows_v, xs_hbm.at[i0_v], sem)
        c1 = pltpu.async_copy(rows_v, xs_hbm.at[i1_v], sem)
        c0.wait(); c1.wait()

    @functools.partial(
        pl.kernel,
        out_type=[
            jax.ShapeDtypeStruct((NUM_ROWS, HIDDEN), jnp.float32),
            jax.ShapeDtypeStruct((NUM_ROWS, HIDDEN), jnp.float32),
        ],
        mesh=mesh,
        scratch_types=[
            pltpu.VMEM((RPW,), jnp.int32),
            pltpu.VMEM((RPW,), jnp.int32),
            pltpu.VMEM((RPW, HIDDEN), jnp.float32),
            pltpu.VMEM((RPW, HIDDEN), jnp.float32),
            pltpu.SemaphoreType.DMA,
        ],
    )
    def combine(ysw_hbm, pos0_hbm, pos1_hbm, y0_hbm, y1_hbm, i0_v, i1_v,
                b0_v, b1_v, sem):
        wid = lax.axis_index("s") * 2 + lax.axis_index("c")
        base = wid * RPW
        pltpu.sync_copy(pos0_hbm.at[pl.ds(base, RPW)], i0_v)
        pltpu.sync_copy(pos1_hbm.at[pl.ds(base, RPW)], i1_v)
        g0 = pltpu.async_copy(ysw_hbm.at[i0_v], b0_v, sem)
        g1 = pltpu.async_copy(ysw_hbm.at[i1_v], b1_v, sem)
        g0.wait(); g1.wait()
        pltpu.sync_copy(b0_v, y0_hbm.at[pl.ds(base, RPW)])
        pltpu.sync_copy(b1_v, y1_hbm.at[pl.ds(base, RPW)])

    return dispatch, combine


def _ffn_body(be_ref, na_ref, xs_ref, fc1_ref, fc3_ref, fc2_ref, ys_ref):
    b = pl.program_id(0)

    @pl.when(b < na_ref[0])
    def _do():
        xs = xs_ref[...]
        h1 = jnp.dot(xs, fc1_ref[0], preferred_element_type=jnp.float32)
        h3 = jnp.dot(xs, fc3_ref[0], preferred_element_type=jnp.float32)
        act = (h1 / (1.0 + jnp.exp(-h1))) * h3
        ys_ref[...] = jnp.dot(act, fc2_ref[0],
                              preferred_element_type=jnp.float32)


def _mix_body(p0_ref, p1_ref, y0_ref, y1_ref, out_ref):
    out_ref[...] = p0_ref[...] * y0_ref[...] + p1_ref[...] * y1_ref[...]


@jax.jit
def kernel(x, router_probs, fc1, fc2, fc3):
    f32 = jnp.float32
    i32 = jnp.int32
    pos0, pos1, p0, p1, be, na = pl.pallas_call(
        _routing_body,
        out_shape=[
            jax.ShapeDtypeStruct((NUM_ROWS, 1), i32),
            jax.ShapeDtypeStruct((NUM_ROWS, 1), i32),
            jax.ShapeDtypeStruct((NUM_ROWS, 1), f32),
            jax.ShapeDtypeStruct((NUM_ROWS, 1), f32),
            jax.ShapeDtypeStruct((NB, 1), i32),
            jax.ShapeDtypeStruct((1, 1), i32),
        ],
    )(router_probs)

    pos0_f = jnp.reshape(pos0, (NUM_ROWS,))
    pos1_f = jnp.reshape(pos1, (NUM_ROWS,))
    dispatch, combine = _sc_kernels()
    xs = dispatch(x, pos0_f, pos1_f)

    be_flat = jnp.reshape(be, (NB,))
    na_flat = jnp.reshape(na, (1,))
    grid_spec = pltpu.PrefetchScalarGridSpec(
        num_scalar_prefetch=2,
        grid=(NB,),
        in_specs=[
            pl.BlockSpec((BLK, HIDDEN), lambda b, be, na: (b, 0)),
            pl.BlockSpec((1, HIDDEN, INTER),
                         lambda b, be, na: (be[jnp.minimum(b, na[0] - 1)],
                                            0, 0)),
            pl.BlockSpec((1, HIDDEN, INTER),
                         lambda b, be, na: (be[jnp.minimum(b, na[0] - 1)],
                                            0, 0)),
            pl.BlockSpec((1, INTER, HIDDEN),
                         lambda b, be, na: (be[jnp.minimum(b, na[0] - 1)],
                                            0, 0)),
        ],
        out_specs=pl.BlockSpec((BLK, HIDDEN), lambda b, be, na: (b, 0)),
    )
    ysw = pl.pallas_call(
        _ffn_body,
        grid_spec=grid_spec,
        out_shape=jax.ShapeDtypeStruct((S, HIDDEN), f32),
        compiler_params=pltpu.CompilerParams(
            dimension_semantics=("arbitrary",),
            vmem_limit_bytes=100 * 1024 * 1024),
    )(be_flat, na_flat, xs, fc1, fc3, fc2)

    y0, y1 = combine(ysw, pos0_f, pos1_f)

    out = pl.pallas_call(
        _mix_body,
        out_shape=jax.ShapeDtypeStruct((NUM_ROWS, HIDDEN), f32),
    )(p0, p1, y0, y1)
    return out

# --- scband reference (transcript-rebuilt; emitter-appended) ---
"""Pipeline reference for scband-reference-mo-e-52578989638366 (READ-ONLY COPY).

The authoritative reference and input builder live on the scoring server;
editing this copy changes nothing except your own understanding.
"""

import jax, jax.numpy as jnp
import numpy as np

NUM_EXPERTS = 8
TOPK = 2
HIDDEN = 768
INTER = 3072
NUM_ROWS = 2048


def setup_inputs(seed: int = 0) -> dict:
    key = jax.random.key(seed)
    k1, k2, k3, k4, k5 = jax.random.split(key, 5)
    x = jax.random.normal(k1, (NUM_ROWS, HIDDEN), dtype=jnp.float32)
    router_probs = jax.random.normal(k2, (NUM_ROWS, NUM_EXPERTS), dtype=jnp.float32)
    fc1 = jax.random.uniform(k3, (NUM_EXPERTS, HIDDEN, INTER), minval=-0.1, maxval=0.1, dtype=jnp.float32)
    fc2 = jax.random.uniform(k4, (NUM_EXPERTS, INTER, HIDDEN), minval=-0.1, maxval=0.1, dtype=jnp.float32)
    fc3 = jax.random.uniform(k5, (NUM_EXPERTS, HIDDEN, INTER), minval=-0.1, maxval=0.1, dtype=jnp.float32)
    return {"x": x, "router_probs": router_probs, "fc1": fc1, "fc2": fc2, "fc3": fc3}


def reference(x, router_probs, fc1, fc2, fc3):
    router_softmax = jax.nn.softmax(router_probs.astype(jnp.float32), axis=1).astype(router_probs.dtype)
    topk_probs, topk_indices = jax.lax.top_k(router_softmax, TOPK)
    topk_probs = topk_probs / jnp.sum(topk_probs, axis=1, keepdims=True)
    final_output = jnp.zeros_like(x)
    for k in range(TOPK):
        prob_k = topk_probs[:, k:k + 1]
        for e in range(NUM_EXPERTS):
            mask = (topk_indices[:, k] == e)[:, None]
            h1 = x @ fc1[e]
            h3 = x @ fc3[e]
            act = jax.nn.silu(h1) * h3
            h2 = act @ fc2[e]
            final_output = final_output + jnp.where(mask, h2 * prob_k, jnp.zeros_like(final_output))
    return final_output

if __name__ == "__main__":
    import jax
    _d = setup_inputs()
    print(jax.jit(kernel)(*tuple(_d.values())))

</pallas_src>

<mosaic_0001>
#map = affine_map<(d0, d1) -> (0, 0)>
#map1 = affine_map<(d0, d1) -> (0)>
module attributes {stable_mosaic.version = 14 : i64} {
  func.func @dispatch(%arg0: i32, %arg1: i32, %arg2: memref<2048x768xf32, #tpu.memory_space<hbm>>, %arg3: memref<2048xi32, #tpu.memory_space<hbm>>, %arg4: memref<2048xi32, #tpu.memory_space<hbm>>, %arg5: memref<4992x768xf32, #tpu.memory_space<hbm>>, %arg6: memref<64xi32, #tpu.memory_space<vmem>>, %arg7: memref<64xi32, #tpu.memory_space<vmem>>, %arg8: memref<64x768xf32, #tpu.memory_space<vmem>>, %arg9: memref<!tpu.dma_semaphore, #tpu.memory_space<semaphore_mem>>) attributes {dimension_semantics = [#tpu.dimension_semantics<core_parallel>, #tpu.dimension_semantics<subcore_parallel>], iteration_bounds = array<i64: 2, 16>, scalar_prefetch = 0 : i64, scratch_operands = 4 : i64, tpu.core_type = #tpu.core_type<sc_vector_subcore>, window_params = [{transform_indices = #map}, {transform_indices = #map1}, {transform_indices = #map1}, {transform_indices = #map}]} {
    %mul3A = arith.constant 2 : i32
    %mul3A_0 = arith.muli %arg1, %mul3A : i32
    %add3A = arith.addi %mul3A_0, %arg0 : i32
    %mul3A_1 = arith.constant 64 : i32
    %mul3A_2 = arith.muli %add3A, %mul3A_1 : i32
    "tpu.region"() ({
      %run_scoped3A = tpu.sem_alloc : memref<!tpu.dma_semaphore, #tpu.memory_space<semaphore_mem>>
      %dma_start3A_13 = tpu.memref_slice %arg3[%mul3A_2] : memref<2048xi32, #tpu.memory_space<hbm>> -> memref<64xi32, #tpu.memory_space<hbm>>
      %dma_start3A_14 = tpu.memref_slice %arg3[%mul3A_2] : memref<2048xi32, #tpu.memory_space<hbm>> -> memref<64xi32, #tpu.memory_space<hbm>>
      tpu.enqueue_dma source(%dma_start3A_14 : memref<64xi32, #tpu.memory_space<hbm>>) target(%arg6 : memref<64xi32, #tpu.memory_space<vmem>>) target_semaphore(%run_scoped3A : memref<!tpu.dma_semaphore, #tpu.memory_space<semaphore_mem>>)
      %dma_wait3A_15 = tpu.memref_slice %arg3[%mul3A_2] : memref<2048xi32, #tpu.memory_space<hbm>> -> memref<64xi32, #tpu.memory_space<hbm>>
      %dma_wait3A_16 = tpu.memref_slice %arg3[%mul3A_2] : memref<2048xi32, #tpu.memory_space<hbm>> -> memref<64xi32, #tpu.memory_space<hbm>>
      tpu.wait_dma2 semaphore(%run_scoped3A : memref<!tpu.dma_semaphore, #tpu.memory_space<semaphore_mem>>) src(%dma_wait3A_16 : memref<64xi32, #tpu.memory_space<hbm>>) dst(%arg6 : memref<64xi32, #tpu.memory_space<vmem>>)
      tpu.yield
    }) : () -> ()
    "tpu.region"() ({
      %run_scoped3A = tpu.sem_alloc : memref<!tpu.dma_semaphore, #tpu.memory_space<semaphore_mem>>
      %dma_start3A_13 = tpu.memref_slice %arg4[%mul3A_2] : memref<2048xi32, #tpu.memory_space<hbm>> -> memref<64xi32, #tpu.memory_space<hbm>>
      %dma_start3A_14 = tpu.memref_slice %arg4[%mul3A_2] : memref<2048xi32, #tpu.memory_space<hbm>> -> memref<64xi32, #tpu.memory_space<hbm>>
      tpu.enqueue_dma source(%dma_start3A_14 : memref<64xi32, #tpu.memory_space<hbm>>) target(%arg7 : memref<64xi32, #tpu.memory_space<vmem>>) target_semaphore(%run_scoped3A : memref<!tpu.dma_semaphore, #tpu.memory_space<semaphore_mem>>)
      %dma_wait3A_15 = tpu.memref_slice %arg4[%mul3A_2] : memref<2048xi32, #tpu.memory_space<hbm>> -> memref<64xi32, #tpu.memory_space<hbm>>
      %dma_wait3A_16 = tpu.memref_slice %arg4[%mul3A_2] : memref<2048xi32, #tpu.memory_space<hbm>> -> memref<64xi32, #tpu.memory_space<hbm>>
      tpu.wait_dma2 semaphore(%run_scoped3A : memref<!tpu.dma_semaphore, #tpu.memory_space<semaphore_mem>>) src(%dma_wait3A_16 : memref<64xi32, #tpu.memory_space<hbm>>) dst(%arg7 : memref<64xi32, #tpu.memory_space<vmem>>)
      tpu.yield
    }) : () -> ()
    "tpu.region"() ({
      %run_scoped3A = tpu.sem_alloc : memref<!tpu.dma_semaphore, #tpu.memory_space<semaphore_mem>>
      %dma_start3A_13 = arith.constant 0 : i32
      %dma_start3A_14 = tpu.memref_slice %arg2[%mul3A_2, %dma_start3A_13] : memref<2048x768xf32, #tpu.memory_space<hbm>> -> memref<64x768xf32, #tpu.memory_space<hbm>>
      %dma_start3A_15 = arith.constant 0 : i32
      %dma_start3A_16 = tpu.memref_slice %arg2[%mul3A_2, %dma_start3A_15] : memref<2048x768xf32, #tpu.memory_space<hbm>> -> memref<64x768xf32, #tpu.memory_space<hbm>>
      tpu.enqueue_dma source(%dma_start3A_16 : memref<64x768xf32, #tpu.memory_space<hbm>>) target(%arg8 : memref<64x768xf32, #tpu.memory_space<vmem>>) target_semaphore(%run_scoped3A : memref<!tpu.dma_semaphore, #tpu.memory_space<semaphore_mem>>)
      %dma_wait3A_17 = arith.constant 0 : i32
      %dma_wait3A_18 = tpu.memref_slice %arg2[%mul3A_2, %dma_wait3A_17] : memref<2048x768xf32, #tpu.memory_space<hbm>> -> memref<64x768xf32, #tpu.memory_space<hbm>>
      %dma_wait3A_19 = arith.constant 0 : i32
      %dma_wait3A_20 = tpu.memref_slice %arg2[%mul3A_2, %dma_wait3A_19] : memref<2048x768xf32, #tpu.memory_space<hbm>> -> memref<64x768xf32, #tpu.memory_space<hbm>>
      tpu.wait_dma2 semaphore(%run_scoped3A : memref<!tpu.dma_semaphore, #tpu.memory_space<semaphore_mem>>) src(%dma_wait3A_20 : memref<64x768xf32, #tpu.memory_space<hbm>>) dst(%arg8 : memref<64x768xf32, #tpu.memory_space<vmem>>)
      tpu.yield
    }) : () -> ()
    %dma_start3A = arith.constant 0 : i32
    %dma_start3A_3 = arith.constant 0 : i32
    %dma_start3A_4 = tpu.memref_slice %arg5[%dma_start3A, %dma_start3A_3] : memref<4992x768xf32, #tpu.memory_space<hbm>> -> memref<4992x768xf32, #tpu.memory_space<hbm>>
    tpu.enqueue_indirect_dma source(%arg8 : memref<64x768xf32, #tpu.memory_space<vmem>>) target(%dma_start3A_4 : memref<4992x768xf32, #tpu.memory_space<hbm>>) offsets(%arg6 : memref<64xi32, #tpu.memory_space<vmem>>) semaphore(%arg9 : memref<!tpu.dma_semaphore, #tpu.memory_space<semaphore_mem>>)
    %dma_start3A_5 = arith.constant 0 : i32
    %dma_start3A_6 = arith.constant 0 : i32
    %dma_start3A_7 = tpu.memref_slice %arg5[%dma_start3A_5, %dma_start3A_6] : memref<4992x768xf32, #tpu.memory_space<hbm>> -> memref<4992x768xf32, #tpu.memory_space<hbm>>
    tpu.enqueue_indirect_dma source(%arg8 : memref<64x768xf32, #tpu.memory_space<vmem>>) target(%dma_start3A_7 : memref<4992x768xf32, #tpu.memory_space<hbm>>) offsets(%arg7 : memref<64xi32, #tpu.memory_space<vmem>>) semaphore(%arg9 : memref<!tpu.dma_semaphore, #tpu.memory_space<semaphore_mem>>)
    %dma_wait3A = arith.constant 0 : i32
    %dma_wait3A_8 = arith.constant 0 : i32
    %dma_wait3A_9 = tpu.memref_slice %arg5[%dma_wait3A, %dma_wait3A_8] : memref<4992x768xf32, #tpu.memory_space<hbm>> -> memref<4992x768xf32, #tpu.memory_space<hbm>>
    tpu.wait_indirect_dma semaphore(%arg9 : memref<!tpu.dma_semaphore, #tpu.memory_space<semaphore_mem>>) src(%arg8 : memref<64x768xf32, #tpu.memory_space<vmem>>) dst(%dma_wait3A_9 : memref<4992x768xf32, #tpu.memory_space<hbm>>)
    %dma_wait3A_10 = arith.constant 0 : i32
    %dma_wait3A_11 = arith.constant 0 : i32
    %dma_wait3A_12 = tpu.memref_slice %arg5[%dma_wait3A_10, %dma_wait3A_11] : memref<4992x768xf32, #tpu.memory_space<hbm>> -> memref<4992x768xf32, #tpu.memory_space<hbm>>
    tpu.wait_indirect_dma semaphore(%arg9 : memref<!tpu.dma_semaphore, #tpu.memory_space<semaphore_mem>>) src(%arg8 : memref<64x768xf32, #tpu.memory_space<vmem>>) dst(%dma_wait3A_12 : memref<4992x768xf32, #tpu.memory_space<hbm>>)
    return
  }
}

#map = affine_map<(d0, d1) -> (0, 0)>
#map1 = affine_map<(d0, d1) -> (0)>
module attributes {stable_mosaic.version = 14 : i64} {
  func.func @combine(%arg0: i32, %arg1: i32, %arg2: memref<4992x768xf32, #tpu.memory_space<hbm>>, %arg3: memref<2048xi32, #tpu.memory_space<hbm>>, %arg4: memref<2048xi32, #tpu.memory_space<hbm>>, %arg5: memref<2048x768xf32, #tpu.memory_space<hbm>>, %arg6: memref<2048x768xf32, #tpu.memory_space<hbm>>, %arg7: memref<64xi32, #tpu.memory_space<vmem>>, %arg8: memref<64xi32, #tpu.memory_space<vmem>>, %arg9: memref<64x768xf32, #tpu.memory_space<vmem>>, %arg10: memref<64x768xf32, #tpu.memory_space<vmem>>, %arg11: memref<!tpu.dma_semaphore, #tpu.memory_space<semaphore_mem>>) attributes {dimension_semantics = [#tpu.dimension_semantics<core_parallel>, #tpu.dimension_semantics<subcore_parallel>], iteration_bounds = array<i64: 2, 16>, scalar_prefetch = 0 : i64, scratch_operands = 5 : i64, tpu.core_type = #tpu.core_type<sc_vector_subcore>, window_params = [{transform_indices = #map}, {transform_indices = #map1}, {transform_indices = #map1}, {transform_indices = #map}, {transform_indices = #map}]} {
    %mul3A = arith.constant 2 : i32
    %mul3A_0 = arith.muli %arg1, %mul3A : i32
    %add3A = arith.addi %mul3A_0, %arg0 : i32
    %mul3A_1 = arith.constant 64 : i32
    %mul3A_2 = arith.muli %add3A, %mul3A_1 : i32
    "tpu.region"() ({
      %run_scoped3A = tpu.sem_alloc : memref<!tpu.dma_semaphore, #tpu.memory_space<semaphore_mem>>
      %dma_start3A_13 = tpu.memref_slice %arg3[%mul3A_2] : memref<2048xi32, #tpu.memory_space<hbm>> -> memref<64xi32, #tpu.memory_space<hbm>>
      %dma_start3A_14 = tpu.memref_slice %arg3[%mul3A_2] : memref<2048xi32, #tpu.memory_space<hbm>> -> memref<64xi32, #tpu.memory_space<hbm>>
      tpu.enqueue_dma source(%dma_start3A_14 : memref<64xi32, #tpu.memory_space<hbm>>) target(%arg7 : memref<64xi32, #tpu.memory_space<vmem>>) target_semaphore(%run_scoped3A : memref<!tpu.dma_semaphore, #tpu.memory_space<semaphore_mem>>)
      %dma_wait3A_15 = tpu.memref_slice %arg3[%mul3A_2] : memref<2048xi32, #tpu.memory_space<hbm>> -> memref<64xi32, #tpu.memory_space<hbm>>
      %dma_wait3A_16 = tpu.memref_slice %arg3[%mul3A_2] : memref<2048xi32, #tpu.memory_space<hbm>> -> memref<64xi32, #tpu.memory_space<hbm>>
      tpu.wait_dma2 semaphore(%run_scoped3A : memref<!tpu.dma_semaphore, #tpu.memory_space<semaphore_mem>>) src(%dma_wait3A_16 : memref<64xi32, #tpu.memory_space<hbm>>) dst(%arg7 : memref<64xi32, #tpu.memory_space<vmem>>)
      tpu.yield
    }) : () -> ()
    "tpu.region"() ({
      %run_scoped3A = tpu.sem_alloc : memref<!tpu.dma_semaphore, #tpu.memory_space<semaphore_mem>>
      %dma_start3A_13 = tpu.memref_slice %arg4[%mul3A_2] : memref<2048xi32, #tpu.memory_space<hbm>> -> memref<64xi32, #tpu.memory_space<hbm>>
      %dma_start3A_14 = tpu.memref_slice %arg4[%mul3A_2] : memref<2048xi32, #tpu.memory_space<hbm>> -> memref<64xi32, #tpu.memory_space<hbm>>
      tpu.enqueue_dma source(%dma_start3A_14 : memref<64xi32, #tpu.memory_space<hbm>>) target(%arg8 : memref<64xi32, #tpu.memory_space<vmem>>) target_semaphore(%run_scoped3A : memref<!tpu.dma_semaphore, #tpu.memory_space<semaphore_mem>>)
      %dma_wait3A_15 = tpu.memref_slice %arg4[%mul3A_2] : memref<2048xi32, #tpu.memory_space<hbm>> -> memref<64xi32, #tpu.memory_space<hbm>>
      %dma_wait3A_16 = tpu.memref_slice %arg4[%mul3A_2] : memref<2048xi32, #tpu.memory_space<hbm>> -> memref<64xi32, #tpu.memory_space<hbm>>
      tpu.wait_dma2 semaphore(%run_scoped3A : memref<!tpu.dma_semaphore, #tpu.memory_space<semaphore_mem>>) src(%dma_wait3A_16 : memref<64xi32, #tpu.memory_space<hbm>>) dst(%arg8 : memref<64xi32, #tpu.memory_space<vmem>>)
      tpu.yield
    }) : () -> ()
    %dma_start3A = arith.constant 0 : i32
    %dma_start3A_3 = arith.constant 0 : i32
    %dma_start3A_4 = tpu.memref_slice %arg2[%dma_start3A, %dma_start3A_3] : memref<4992x768xf32, #tpu.memory_space<hbm>> -> memref<4992x768xf32, #tpu.memory_space<hbm>>
    tpu.enqueue_indirect_dma source(%dma_start3A_4 : memref<4992x768xf32, #tpu.memory_space<hbm>>) target(%arg9 : memref<64x768xf32, #tpu.memory_space<vmem>>) offsets(%arg7 : memref<64xi32, #tpu.memory_space<vmem>>) semaphore(%arg11 : memref<!tpu.dma_semaphore, #tpu.memory_space<semaphore_mem>>)
    %dma_start3A_5 = arith.constant 0 : i32
    %dma_start3A_6 = arith.constant 0 : i32
    %dma_start3A_7 = tpu.memref_slice %arg2[%dma_start3A_5, %dma_start3A_6] : memref<4992x768xf32, #tpu.memory_space<hbm>> -> memref<4992x768xf32, #tpu.memory_space<hbm>>
    tpu.enqueue_indirect_dma source(%dma_start3A_7 : memref<4992x768xf32, #tpu.memory_space<hbm>>) target(%arg10 : memref<64x768xf32, #tpu.memory_space<vmem>>) offsets(%arg8 : memref<64xi32, #tpu.memory_space<vmem>>) semaphore(%arg11 : memref<!tpu.dma_semaphore, #tpu.memory_space<semaphore_mem>>)
    %dma_wait3A = arith.constant 0 : i32
    %dma_wait3A_8 = arith.constant 0 : i32
    %dma_wait3A_9 = tpu.memref_slice %arg2[%dma_wait3A, %dma_wait3A_8] : memref<4992x768xf32, #tpu.memory_space<hbm>> -> memref<4992x768xf32, #tpu.memory_space<hbm>>
    tpu.wait_indirect_dma semaphore(%arg11 : memref<!tpu.dma_semaphore, #tpu.memory_space<semaphore_mem>>) src(%dma_wait3A_9 : memref<4992x768xf32, #tpu.memory_space<hbm>>) dst(%arg9 : memref<64x768xf32, #tpu.memory_space<vmem>>)
    %dma_wait3A_10 = arith.constant 0 : i32
    %dma_wait3A_11 = arith.constant 0 : i32
    %dma_wait3A_12 = tpu.memref_slice %arg2[%dma_wait3A_10, %dma_wait3A_11] : memref<4992x768xf32, #tpu.memory_space<hbm>> -> memref<4992x768xf32, #tpu.memory_space<hbm>>
    tpu.wait_indirect_dma semaphore(%arg11 : memref<!tpu.dma_semaphore, #tpu.memory_space<semaphore_mem>>) src(%dma_wait3A_12 : memref<4992x768xf32, #tpu.memory_space<hbm>>) dst(%arg10 : memref<64x768xf32, #tpu.memory_space<vmem>>)
    "tpu.region"() ({
      %run_scoped3A = tpu.sem_alloc : memref<!tpu.dma_semaphore, #tpu.memory_space<semaphore_mem>>
      %dma_start3A_13 = arith.constant 0 : i32
      %dma_start3A_14 = tpu.memref_slice %arg5[%mul3A_2, %dma_start3A_13] : memref<2048x768xf32, #tpu.memory_space<hbm>> -> memref<64x768xf32, #tpu.memory_space<hbm>>
      %dma_start3A_15 = arith.constant 0 : i32
      %dma_start3A_16 = tpu.memref_slice %arg5[%mul3A_2, %dma_start3A_15] : memref<2048x768xf32, #tpu.memory_space<hbm>> -> memref<64x768xf32, #tpu.memory_space<hbm>>
      tpu.enqueue_dma source(%arg9 : memref<64x768xf32, #tpu.memory_space<vmem>>) target(%dma_start3A_16 : memref<64x768xf32, #tpu.memory_space<hbm>>) target_semaphore(%run_scoped3A : memref<!tpu.dma_semaphore, #tpu.memory_space<semaphore_mem>>)
      %dma_wait3A_17 = arith.constant 0 : i32
      %dma_wait3A_18 = tpu.memref_slice %arg5[%mul3A_2, %dma_wait3A_17] : memref<2048x768xf32, #tpu.memory_space<hbm>> -> memref<64x768xf32, #tpu.memory_space<hbm>>
      %dma_wait3A_19 = arith.constant 0 : i32
      %dma_wait3A_20 = tpu.memref_slice %arg5[%mul3A_2, %dma_wait3A_19] : memref<2048x768xf32, #tpu.memory_space<hbm>> -> memref<64x768xf32, #tpu.memory_space<hbm>>
      tpu.wait_dma2 semaphore(%run_scoped3A : memref<!tpu.dma_semaphore, #tpu.memory_space<semaphore_mem>>) src(%arg9 : memref<64x768xf32, #tpu.memory_space<vmem>>) dst(%dma_wait3A_20 : memref<64x768xf32, #tpu.memory_space<hbm>>)
      tpu.yield
    }) : () -> ()
    "tpu.region"() ({
      %run_scoped3A = tpu.sem_alloc : memref<!tpu.dma_semaphore, #tpu.memory_space<semaphore_mem>>
      %dma_start3A_13 = arith.constant 0 : i32
      %dma_start3A_14 = tpu.memref_slice %arg6[%mul3A_2, %dma_start3A_13] : memref<2048x768xf32, #tpu.memory_space<hbm>> -> memref<64x768xf32, #tpu.memory_space<hbm>>
      %dma_start3A_15 = arith.constant 0 : i32
      %dma_start3A_16 = tpu.memref_slice %arg6[%mul3A_2, %dma_start3A_15] : memref<2048x768xf32, #tpu.memory_space<hbm>> -> memref<64x768xf32, #tpu.memory_space<hbm>>
      tpu.enqueue_dma source(%arg10 : memref<64x768xf32, #tpu.memory_space<vmem>>) target(%dma_start3A_16 : memref<64x768xf32, #tpu.memory_space<hbm>>) target_semaphore(%run_scoped3A : memref<!tpu.dma_semaphore, #tpu.memory_space<semaphore_mem>>)
      %dma_wait3A_17 = arith.constant 0 : i32
      %dma_wait3A_18 = tpu.memref_slice %arg6[%mul3A_2, %dma_wait3A_17] : memref<2048x768xf32, #tpu.memory_space<hbm>> -> memref<64x768xf32, #tpu.memory_space<hbm>>
      %dma_wait3A_19 = arith.constant 0 : i32
      %dma_wait3A_20 = tpu.memref_slice %arg6[%mul3A_2, %dma_wait3A_19] : memref<2048x768xf32, #tpu.memory_space<hbm>> -> memref<64x768xf32, #tpu.memory_space<hbm>>
      tpu.wait_dma2 semaphore(%run_scoped3A : memref<!tpu.dma_semaphore, #tpu.memory_space<semaphore_mem>>) src(%arg10 : memref<64x768xf32, #tpu.memory_space<vmem>>) dst(%dma_wait3A_20 : memref<64x768xf32, #tpu.memory_space<hbm>>)
      tpu.yield
    }) : () -> ()
    return
  }
}

module attributes {stable_mosaic.version = 14 : i64} {
  func.func @_routing_body(%arg0: memref<2048x8xf32, #tpu.memory_space<vmem>>, %arg1: memref<2048x1xi32, #tpu.memory_space<vmem>>, %arg2: memref<2048x1xi32, #tpu.memory_space<vmem>>, %arg3: memref<2048x1xf32, #tpu.memory_space<vmem>>, %arg4: memref<2048x1xf32, #tpu.memory_space<vmem>>, %arg5: memref<39x1xi32, #tpu.memory_space<vmem>>, %arg6: memref<1x1xi32, #tpu.memory_space<vmem>>) attributes {dimension_semantics = [], scalar_prefetch = 0 : i64, scratch_operands = 0 : i64, tpu.core_type = #tpu.core_type<tc>} {
    %get3A = arith.constant 0 : index
    %get3A_0 = arith.constant 0 : index
    %get3A_1 = vector.load %arg0[%get3A, %get3A_0] : memref<2048x8xf32, #tpu.memory_space<vmem>>, vector<2048x8xf32>
    %iota3A = tpu.iota {dimensions = array<i32: 1>} : vector<2048x8xi32>
    %reduce_max3A = arith.constant dense<0xFF800000> : vector<2048xf32>
    %reduce_max3A_2 = vector.multi_reduction <maximumf>, %get3A_1, %reduce_max3A [1] : vector<2048x8xf32> to vector<2048xf32>
    %broadcast_in_dim3A = vector.shape_cast %reduce_max3A_2 : vector<2048xf32> to vector<2048x1xf32>
    %eq3A = vector.broadcast %broadcast_in_dim3A : vector<2048x1xf32> to vector<2048x8xf32>
    %eq3A_3 = arith.cmpf oeq, %get3A_1, %eq3A : vector<2048x8xf32>
    %jit3A = arith.constant 8 : i32
    %broadcast_in_dim3A_4 = vector.broadcast %jit3A : i32 to vector<2048x8xi32>
    %select_n3A = arith.select %eq3A_3, %iota3A, %broadcast_in_dim3A_4 : vector<2048x8xi1>, vector<2048x8xi32>
    %reduce_min3A = arith.constant dense<2147483647> : vector<2048xi32>
    %reduce_min3A_5 = vector.multi_reduction <minsi>, %select_n3A, %reduce_min3A [1] : vector<2048x8xi32> to vector<2048xi32>
    %broadcast_in_dim3A_6 = vector.shape_cast %reduce_min3A_5 : vector<2048xi32> to vector<2048x1xi32>
    %eq3A_7 = vector.broadcast %broadcast_in_dim3A_6 : vector<2048x1xi32> to vector<2048x8xi32>
    %eq3A_8 = arith.cmpi eq, %iota3A, %eq3A_7 : vector<2048x8xi32>
    %jit3A_9 = arith.constant -3.000000e+38 : f32
    %broadcast_in_dim3A_10 = vector.broadcast %jit3A_9 : f32 to vector<2048x8xf32>
    %select_n3A_11 = arith.select %eq3A_8, %broadcast_in_dim3A_10, %get3A_1 : vector<2048x8xi1>, vector<2048x8xf32>
    %reduce_max3A_12 = arith.constant dense<0xFF800000> : vector<2048xf32>
    %reduce_max3A_13 = vector.multi_reduction <maximumf>, %select_n3A_11, %reduce_max3A_12 [1] : vector<2048x8xf32> to vector<2048xf32>
    %broadcast_in_dim3A_14 = vector.shape_cast %reduce_max3A_13 : vector<2048xf32> to vector<2048x1xf32>
    %eq3A_15 = vector.broadcast %broadcast_in_dim3A_14 : vector<2048x1xf32> to vector<2048x8xf32>
    %eq3A_16 = arith.cmpf oeq, %select_n3A_11, %eq3A_15 : vector<2048x8xf32>
    %jit3A_17 = arith.constant 8 : i32
    %broadcast_in_dim3A_18 = vector.broadcast %jit3A_17 : i32 to vector<2048x8xi32>
    %select_n3A_19 = arith.select %eq3A_16, %iota3A, %broadcast_in_dim3A_18 : vector<2048x8xi1>, vector<2048x8xi32>
    %reduce_min3A_20 = arith.constant dense<2147483647> : vector<2048xi32>
    %reduce_min3A_21 = vector.multi_reduction <minsi>, %select_n3A_19, %reduce_min3A_20 [1] : vector<2048x8xi32> to vector<2048xi32>
    %broadcast_in_dim3A_22 = vector.shape_cast %reduce_min3A_21 : vector<2048xi32> to vector<2048x1xi32>
    %sub3A = arith.subf %broadcast_in_dim3A_14, %broadcast_in_dim3A : vector<2048x1xf32>
    %exp3A = math.exp %sub3A : vector<2048x1xf32>
    %add3A = arith.constant 1.000000e+00 : f32
    %add3A_23 = vector.broadcast %add3A : f32 to vector<2048x1xf32>
    %add3A_24 = arith.addf %add3A_23, %exp3A : vector<2048x1xf32>
    %div3A = arith.constant 1.000000e+00 : f32
    %div3A_25 = vector.broadcast %div3A : f32 to vector<2048x1xf32>
    %div3A_26 = arith.divf %div3A_25, %add3A_24 : vector<2048x1xf32>
    %swap3A = arith.constant 0 : index
    %swap3A_27 = arith.constant 0 : index
    %swap3A_28 = vector.load %arg3[%swap3A, %swap3A_27] : memref<2048x1xf32, #tpu.memory_space<vmem>>, vector<2048x1xf32>
    tpu.vector_store %arg3[%swap3A, %swap3A_27], %div3A_26 {strides = array<i32>} : memref<2048x1xf32, #tpu.memory_space<vmem>>, vector<2048x1xf32>,
    %sub3A_29 = arith.constant 1.000000e+00 : f32
    %sub3A_30 = vector.broadcast %sub3A_29 : f32 to vector<2048x1xf32>
    %sub3A_31 = arith.subf %sub3A_30, %div3A_26 : vector<2048x1xf32>
    %swap3A_32 = arith.constant 0 : index
    %swap3A_33 = arith.constant 0 : index
    %swap3A_34 = vector.load %arg4[%swap3A_32, %swap3A_33] : memref<2048x1xf32, #tpu.memory_space<vmem>>, vector<2048x1xf32>
    tpu.vector_store %arg4[%swap3A_32, %swap3A_33], %sub3A_31 {strides = array<i32>} : memref<2048x1xf32, #tpu.memory_space<vmem>>, vector<2048x1xf32>,
    %eq3A_35 = vector.broadcast %broadcast_in_dim3A_6 : vector<2048x1xi32> to vector<2048x8xi32>
    %eq3A_36 = arith.cmpi eq, %iota3A, %eq3A_35 : vector<2048x8xi32>
    %convert_element_type3A = arith.extui %eq3A_36 : vector<2048x8xi1> to vector<2048x8xi32>
    %eq3A_37 = vector.broadcast %broadcast_in_dim3A_22 : vector<2048x1xi32> to vector<2048x8xi32>
    %eq3A_38 = arith.cmpi eq, %iota3A, %eq3A_37 : vector<2048x8xi32>
    %convert_element_type3A_39 = arith.extui %eq3A_38 : vector<2048x8xi1> to vector<2048x8xi32>
    %broadcast_in_dim3A_40 = arith.constant 0 : i32
    %broadcast_in_dim3A_41 = vector.broadcast %broadcast_in_dim3A_40 : i32 to vector<1x8xi32>
    %slice3A = vector.extract_strided_slice %convert_element_type3A {offsets = [0, 0], sizes = [2047, 8], strides = [1, 1]} : vector<2048x8xi32> to vector<2047x8xi32>
    %concatenate3A = tpu.concatenate %broadcast_in_dim3A_41, %slice3A in 0 : vector<1x8xi32>, vector<2047x8xi32> -> vector<2048x8xi32>
    %add3A_42 = arith.addi %convert_element_type3A, %concatenate3A : vector<2048x8xi32>
    %broadcast_in_dim3A_43 = arith.constant 0 : i32
    %broadcast_in_dim3A_44 = vector.broadcast %broadcast_in_dim3A_43 : i32 to vector<2x8xi32>
    %slice3A_45 = vector.extract_strided_slice %add3A_42 {offsets = [0, 0], sizes = [2046, 8], strides = [1, 1]} : vector<2048x8xi32> to vector<2046x8xi32>
    %concatenate3A_46 = tpu.concatenate %broadcast_in_dim3A_44, %slice3A_45 in 0 : vector<2x8xi32>, vector<2046x8xi32> -> vector<2048x8xi32>
    %add3A_47 = arith.addi %add3A_42, %concatenate3A_46 : vector<2048x8xi32>
    %broadcast_in_dim3A_48 = arith.constant 0 : i32
    %broadcast_in_dim3A_49 = vector.broadcast %broadcast_in_dim3A_48 : i32 to vector<4x8xi32>
    %slice3A_50 = vector.extract_strided_slice %add3A_47 {offsets = [0, 0], sizes = [2044, 8], strides = [1, 1]} : vector<2048x8xi32> to vector<2044x8xi32>
    %concatenate3A_51 = tpu.concatenate %broadcast_in_dim3A_49, %slice3A_50 in 0 : vector<4x8xi32>, vector<2044x8xi32> -> vector<2048x8xi32>
    %add3A_52 = arith.addi %add3A_47, %concatenate3A_51 : vector<2048x8xi32>
    %broadcast_in_dim3A_53 = arith.constant 0 : i32
    %broadcast_in_dim3A_54 = vector.broadcast %broadcast_in_dim3A_53 : i32 to vector<8x8xi32>
    %slice3A_55 = vector.extract_strided_slice %add3A_52 {offsets = [0, 0], sizes = [2040, 8], strides = [1, 1]} : vector<2048x8xi32> to vector<2040x8xi32>
    %concatenate3A_56 = tpu.concatenate %broadcast_in_dim3A_54, %slice3A_55 in 0 : vector<8x8xi32>, vector<2040x8xi32> -> vector<2048x8xi32>
    %add3A_57 = arith.addi %add3A_52, %concatenate3A_56 : vector<2048x8xi32>
    %broadcast_in_dim3A_58 = arith.constant 0 : i32
    %broadcast_in_dim3A_59 = vector.broadcast %broadcast_in_dim3A_58 : i32 to vector<16x8xi32>
    %slice3A_60 = vector.extract_strided_slice %add3A_57 {offsets = [0, 0], sizes = [2032, 8], strides = [1, 1]} : vector<2048x8xi32> to vector<2032x8xi32>
    %concatenate3A_61 = tpu.concatenate %broadcast_in_dim3A_59, %slice3A_60 in 0 : vector<16x8xi32>, vector<2032x8xi32> -> vector<2048x8xi32>
    %add3A_62 = arith.addi %add3A_57, %concatenate3A_61 : vector<2048x8xi32>
    %broadcast_in_dim3A_63 = arith.constant 0 : i32
    %broadcast_in_dim3A_64 = vector.broadcast %broadcast_in_dim3A_63 : i32 to vector<32x8xi32>
    %slice3A_65 = vector.extract_strided_slice %add3A_62 {offsets = [0, 0], sizes = [2016, 8], strides = [1, 1]} : vector<2048x8xi32> to vector<2016x8xi32>
    %concatenate3A_66 = tpu.concatenate %broadcast_in_dim3A_64, %slice3A_65 in 0 : vector<32x8xi32>, vector<2016x8xi32> -> vector<2048x8xi32>
    %add3A_67 = arith.addi %add3A_62, %concatenate3A_66 : vector<2048x8xi32>
    %broadcast_in_dim3A_68 = arith.constant 0 : i32
    %broadcast_in_dim3A_69 = vector.broadcast %broadcast_in_dim3A_68 : i32 to vector<64x8xi32>
    %slice3A_70 = vector.extract_strided_slice %add3A_67 {offsets = [0, 0], sizes = [1984, 8], strides = [1, 1]} : vector<2048x8xi32> to vector<1984x8xi32>
    %concatenate3A_71 = tpu.concatenate %broadcast_in_dim3A_69, %slice3A_70 in 0 : vector<64x8xi32>, vector<1984x8xi32> -> vector<2048x8xi32>
    %add3A_72 = arith.addi %add3A_67, %concatenate3A_71 : vector<2048x8xi32>
    %broadcast_in_dim3A_73 = arith.constant 0 : i32
    %broadcast_in_dim3A_74 = vector.broadcast %broadcast_in_dim3A_73 : i32 to vector<128x8xi32>
    %slice3A_75 = vector.extract_strided_slice %add3A_72 {offsets = [0, 0], sizes = [1920, 8], strides = [1, 1]} : vector<2048x8xi32> to vector<1920x8xi32>
    %concatenate3A_76 = tpu.concatenate %broadcast_in_dim3A_74, %slice3A_75 in 0 : vector<128x8xi32>, vector<1920x8xi32> -> vector<2048x8xi32>
    %add3A_77 = arith.addi %add3A_72, %concatenate3A_76 : vector<2048x8xi32>
    %broadcast_in_dim3A_78 = arith.constant 0 : i32
    %broadcast_in_dim3A_79 = vector.broadcast %broadcast_in_dim3A_78 : i32 to vector<256x8xi32>
    %slice3A_80 = vector.extract_strided_slice %add3A_77 {offsets = [0, 0], sizes = [1792, 8], strides = [1, 1]} : vector<2048x8xi32> to vector<1792x8xi32>
    %concatenate3A_81 = tpu.concatenate %broadcast_in_dim3A_79, %slice3A_80 in 0 : vector<256x8xi32>, vector<1792x8xi32> -> vector<2048x8xi32>
    %add3A_82 = arith.addi %add3A_77, %concatenate3A_81 : vector<2048x8xi32>
    %broadcast_in_dim3A_83 = arith.constant 0 : i32
    %broadcast_in_dim3A_84 = vector.broadcast %broadcast_in_dim3A_83 : i32 to vector<512x8xi32>
    %slice3A_85 = vector.extract_strided_slice %add3A_82 {offsets = [0, 0], sizes = [1536, 8], strides = [1, 1]} : vector<2048x8xi32> to vector<1536x8xi32>
    %concatenate3A_86 = tpu.concatenate %broadcast_in_dim3A_84, %slice3A_85 in 0 : vector<512x8xi32>, vector<1536x8xi32> -> vector<2048x8xi32>
    %add3A_87 = arith.addi %add3A_82, %concatenate3A_86 : vector<2048x8xi32>
    %broadcast_in_dim3A_88 = arith.constant 0 : i32
    %broadcast_in_dim3A_89 = vector.broadcast %broadcast_in_dim3A_88 : i32 to vector<1024x8xi32>
    %slice3A_90 = vector.extract_strided_slice %add3A_87 {offsets = [0, 0], sizes = [1024, 8], strides = [1, 1]} : vector<2048x8xi32> to vector<1024x8xi32>
    %concatenate3A_91 = tpu.concatenate %broadcast_in_dim3A_89, %slice3A_90 in 0 : vector<1024x8xi32>, vector<1024x8xi32> -> vector<2048x8xi32>
    %add3A_92 = arith.addi %add3A_87, %concatenate3A_91 : vector<2048x8xi32>
    %broadcast_in_dim3A_93 = arith.constant 0 : i32
    %broadcast_in_dim3A_94 = vector.broadcast %broadcast_in_dim3A_93 : i32 to vector<1x8xi32>
    %slice3A_95 = vector.extract_strided_slice %convert_element_type3A_39 {offsets = [0, 0], sizes = [2047, 8], strides = [1, 1]} : vector<2048x8xi32> to vector<2047x8xi32>
    %concatenate3A_96 = tpu.concatenate %broadcast_in_dim3A_94, %slice3A_95 in 0 : vector<1x8xi32>, vector<2047x8xi32> -> vector<2048x8xi32>
    %add3A_97 = arith.addi %convert_element_type3A_39, %concatenate3A_96 : vector<2048x8xi32>
    %broadcast_in_dim3A_98 = arith.constant 0 : i32
    %broadcast_in_dim3A_99 = vector.broadcast %broadcast_in_dim3A_98 : i32 to vector<2x8xi32>
    %slice3A_100 = vector.extract_strided_slice %add3A_97 {offsets = [0, 0], sizes = [2046, 8], strides = [1, 1]} : vector<2048x8xi32> to vector<2046x8xi32>
    %concatenate3A_101 = tpu.concatenate %broadcast_in_dim3A_99, %slice3A_100 in 0 : vector<2x8xi32>, vector<2046x8xi32> -> vector<2048x8xi32>
    %add3A_102 = arith.addi %add3A_97, %concatenate3A_101 : vector<2048x8xi32>
    %broadcast_in_dim3A_103 = arith.constant 0 : i32
    %broadcast_in_dim3A_104 = vector.broadcast %broadcast_in_dim3A_103 : i32 to vector<4x8xi32>
    %slice3A_105 = vector.extract_strided_slice %add3A_102 {offsets = [0, 0], sizes = [2044, 8], strides = [1, 1]} : vector<2048x8xi32> to vector<2044x8xi32>
    %concatenate3A_106 = tpu.concatenate %broadcast_in_dim3A_104, %slice3A_105 in 0 : vector<4x8xi32>, vector<2044x8xi32> -> vector<2048x8xi32>
    %add3A_107 = arith.addi %add3A_102, %concatenate3A_106 : vector<2048x8xi32>
    %broadcast_in_dim3A_108 = arith.constant 0 : i32
    %broadcast_in_dim3A_109 = vector.broadcast %broadcast_in_dim3A_108 : i32 to vector<8x8xi32>
    %slice3A_110 = vector.extract_strided_slice %add3A_107 {offsets = [0, 0], sizes = [2040, 8], strides = [1, 1]} : vector<2048x8xi32> to vector<2040x8xi32>
    %concatenate3A_111 = tpu.concatenate %broadcast_in_dim3A_109, %slice3A_110 in 0 : vector<8x8xi32>, vector<2040x8xi32> -> vector<2048x8xi32>
    %add3A_112 = arith.addi %add3A_107, %concatenate3A_111 : vector<2048x8xi32>
    %broadcast_in_dim3A_113 = arith.constant 0 : i32
    %broadcast_in_dim3A_114 = vector.broadcast %broadcast_in_dim3A_113 : i32 to vector<16x8xi32>
    %slice3A_115 = vector.extract_strided_slice %add3A_112 {offsets = [0, 0], sizes = [2032, 8], strides = [1, 1]} : vector<2048x8xi32> to vector<2032x8xi32>
    %concatenate3A_116 = tpu.concatenate %broadcast_in_dim3A_114, %slice3A_115 in 0 : vector<16x8xi32>, vector<2032x8xi32> -> vector<2048x8xi32>
    %add3A_117 = arith.addi %add3A_112, %concatenate3A_116 : vector<2048x8xi32>
    %broadcast_in_dim3A_118 = arith.constant 0 : i32
    %broadcast_in_dim3A_119 = vector.broadcast %broadcast_in_dim3A_118 : i32 to vector<32x8xi32>
    %slice3A_120 = vector.extract_strided_slice %add3A_117 {offsets = [0, 0], sizes = [2016, 8], strides = [1, 1]} : vector<2048x8xi32> to vector<2016x8xi32>
    %concatenate3A_121 = tpu.concatenate %broadcast_in_dim3A_119, %slice3A_120 in 0 : vector<32x8xi32>, vector<2016x8xi32> -> vector<2048x8xi32>
    %add3A_122 = arith.addi %add3A_117, %concatenate3A_121 : vector<2048x8xi32>
    %broadcast_in_dim3A_123 = arith.constant 0 : i32
    %broadcast_in_dim3A_124 = vector.broadcast %broadcast_in_dim3A_123 : i32 to vector<64x8xi32>
    %slice3A_125 = vector.extract_strided_slice %add3A_122 {offsets = [0, 0], sizes = [1984, 8], strides = [1, 1]} : vector<2048x8xi32> to vector<1984x8xi32>
    %concatenate3A_126 = tpu.concatenate %broadcast_in_dim3A_124, %slice3A_125 in 0 : vector<64x8xi32>, vector<1984x8xi32> -> vector<2048x8xi32>
    %add3A_127 = arith.addi %add3A_122, %concatenate3A_126 : vector<2048x8xi32>
    %broadcast_in_dim3A_128 = arith.constant 0 : i32
    %broadcast_in_dim3A_129 = vector.broadcast %broadcast_in_dim3A_128 : i32 to vector<128x8xi32>
    %slice3A_130 = vector.extract_strided_slice %add3A_127 {offsets = [0, 0], sizes = [1920, 8], strides = [1, 1]} : vector<2048x8xi32> to vector<1920x8xi32>
    %concatenate3A_131 = tpu.concatenate %broadcast_in_dim3A_129, %slice3A_130 in 0 : vector<128x8xi32>, vector<1920x8xi32> -> vector<2048x8xi32>
    %add3A_132 = arith.addi %add3A_127, %concatenate3A_131 : vector<2048x8xi32>
    %broadcast_in_dim3A_133 = arith.constant 0 : i32
    %broadcast_in_dim3A_134 = vector.broadcast %broadcast_in_dim3A_133 : i32 to vector<256x8xi32>
    %slice3A_135 = vector.extract_strided_slice %add3A_132 {offsets = [0, 0], sizes = [1792, 8], strides = [1, 1]} : vector<2048x8xi32> to vector<1792x8xi32>
    %concatenate3A_136 = tpu.concatenate %broadcast_in_dim3A_134, %slice3A_135 in 0 : vector<256x8xi32>, vector<1792x8xi32> -> vector<2048x8xi32>
    %add3A_137 = arith.addi %add3A_132, %concatenate3A_136 : vector<2048x8xi32>
    %broadcast_in_dim3A_138 = arith.constant 0 : i32
    %broadcast_in_dim3A_139 = vector.broadcast %broadcast_in_dim3A_138 : i32 to vector<512x8xi32>
    %slice3A_140 = vector.extract_strided_slice %add3A_137 {offsets = [0, 0], sizes = [1536, 8], strides = [1, 1]} : vector<2048x8xi32> to vector<1536x8xi32>
    %concatenate3A_141 = tpu.concatenate %broadcast_in_dim3A_139, %slice3A_140 in 0 : vector<512x8xi32>, vector<1536x8xi32> -> vector<2048x8xi32>
    %add3A_142 = arith.addi %add3A_137, %concatenate3A_141 : vector<2048x8xi32>
    %broadcast_in_dim3A_143 = arith.constant 0 : i32
    %broadcast_in_dim3A_144 = vector.broadcast %broadcast_in_dim3A_143 : i32 to vector<1024x8xi32>
    %slice3A_145 = vector.extract_strided_slice %add3A_142 {offsets = [0, 0], sizes = [1024, 8], strides = [1, 1]} : vector<2048x8xi32> to vector<1024x8xi32>
    %concatenate3A_146 = tpu.concatenate %broadcast_in_dim3A_144, %slice3A_145 in 0 : vector<1024x8xi32>, vector<1024x8xi32> -> vector<2048x8xi32>
    %add3A_147 = arith.addi %add3A_142, %concatenate3A_146 : vector<2048x8xi32>
    %slice3A_148 = vector.extract_strided_slice %add3A_92 {offsets = [2047, 0], sizes = [1, 8], strides = [1, 1]} : vector<2048x8xi32> to vector<1x8xi32>
    %slice3A_149 = vector.extract_strided_slice %add3A_147 {offsets = [2047, 0], sizes = [1, 8], strides = [1, 1]} : vector<2048x8xi32> to vector<1x8xi32>
    %add3A_150 = arith.addi %slice3A_148, %slice3A_149 : vector<1x8xi32>
    %add3A_151 = arith.constant 127 : i32
    %add3A_152 = vector.broadcast %add3A_151 : i32 to vector<1x8xi32>
    %add3A_153 = arith.addi %add3A_150, %add3A_152 : vector<1x8xi32>
    %jit3A_154 = arith.constant 128 : i32
    %div3A_155 = vector.broadcast %jit3A_154 : i32 to vector<1x8xi32>
    %div3A_156 = arith.divsi %add3A_153, %div3A_155 : vector<1x8xi32>
    %sign3A = arith.constant 0 : i32
    %sign3A_157 = vector.broadcast %sign3A : i32 to vector<1x8xi32>
    %sign3A_158 = arith.cmpi sgt, %add3A_153, %sign3A_157 : vector<1x8xi32>
    %sign3A_159 = arith.extui %sign3A_158 : vector<1x8xi1> to vector<1x8xi32>
    %sign3A_160 = arith.constant 0 : i32
    %sign3A_161 = vector.broadcast %sign3A_160 : i32 to vector<1x8xi32>
    %sign3A_162 = arith.cmpi slt, %add3A_153, %sign3A_161 : vector<1x8xi32>
    %sign3A_163 = arith.extui %sign3A_162 : vector<1x8xi1> to vector<1x8xi32>
    %sign3A_164 = arith.subi %sign3A_159, %sign3A_163 : vector<1x8xi32>
    %sign3A_165 = arith.constant 0 : i32
    %sign3A_166 = arith.cmpi sgt, %jit3A_154, %sign3A_165 : i32
    %sign3A_167 = arith.extui %sign3A_166 : i1 to i32
    %sign3A_168 = arith.constant 0 : i32
    %sign3A_169 = arith.cmpi slt, %jit3A_154, %sign3A_168 : i32
    %sign3A_170 = arith.extui %sign3A_169 : i1 to i32
    %sign3A_171 = arith.subi %sign3A_167, %sign3A_170 : i32
    %ne3A = vector.broadcast %sign3A_171 : i32 to vector<1x8xi32>
    %ne3A_172 = arith.cmpi ne, %sign3A_164, %ne3A : vector<1x8xi32>
    %rem3A = vector.broadcast %jit3A_154 : i32 to vector<1x8xi32>
    %rem3A_173 = arith.remsi %add3A_153, %rem3A : vector<1x8xi32>
    %ne3A_174 = arith.constant 0 : i32
    %ne3A_175 = vector.broadcast %ne3A_174 : i32 to vector<1x8xi32>
    %ne3A_176 = arith.cmpi ne, %rem3A_173, %ne3A_175 : vector<1x8xi32>
    %and3A = arith.andi %ne3A_172, %ne3A_176 : vector<1x8xi1>
    %sub3A_177 = arith.constant 1 : i32
    %sub3A_178 = vector.broadcast %sub3A_177 : i32 to vector<1x8xi32>
    %sub3A_179 = arith.subi %div3A_156, %sub3A_178 : vector<1x8xi32>
    %select_n3A_180 = arith.select %and3A, %sub3A_179, %div3A_156 : vector<1x8xi1>, vector<1x8xi32>
    %mul3A = arith.constant 128 : i32
    %mul3A_181 = vector.broadcast %mul3A : i32 to vector<1x8xi32>
    %mul3A_182 = arith.muli %select_n3A_180, %mul3A_181 : vector<1x8xi32>
    %broadcast_in_dim3A_183 = arith.constant 0 : i32
    %broadcast_in_dim3A_184 = vector.broadcast %broadcast_in_dim3A_183 : i32 to vector<1x1xi32>
    %slice3A_185 = vector.extract_strided_slice %mul3A_182 {offsets = [0, 0], sizes = [1, 7], strides = [1, 1]} : vector<1x8xi32> to vector<1x7xi32>
    %concatenate3A_186 = tpu.concatenate %broadcast_in_dim3A_184, %slice3A_185 in 1 : vector<1x1xi32>, vector<1x7xi32> -> vector<1x8xi32>
    %add3A_187 = arith.addi %mul3A_182, %concatenate3A_186 : vector<1x8xi32>
    %broadcast_in_dim3A_188 = arith.constant 0 : i32
    %broadcast_in_dim3A_189 = vector.broadcast %broadcast_in_dim3A_188 : i32 to vector<1x2xi32>
    %slice3A_190 = vector.extract_strided_slice %add3A_187 {offsets = [0, 0], sizes = [1, 6], strides = [1, 1]} : vector<1x8xi32> to vector<1x6xi32>
    %concatenate3A_191 = tpu.concatenate %broadcast_in_dim3A_189, %slice3A_190 in 1 : vector<1x2xi32>, vector<1x6xi32> -> vector<1x8xi32>
    %add3A_192 = arith.addi %add3A_187, %concatenate3A_191 : vector<1x8xi32>
    %broadcast_in_dim3A_193 = arith.constant 0 : i32
    %broadcast_in_dim3A_194 = vector.broadcast %broadcast_in_dim3A_193 : i32 to vector<1x4xi32>
    %slice3A_195 = vector.extract_strided_slice %add3A_192 {offsets = [0, 0], sizes = [1, 4], strides = [1, 1]} : vector<1x8xi32> to vector<1x4xi32>
    %concatenate3A_196 = tpu.concatenate %broadcast_in_dim3A_194, %slice3A_195 in 1 : vector<1x4xi32>, vector<1x4xi32> -> vector<1x8xi32>
    %add3A_197 = arith.addi %add3A_192, %concatenate3A_196 : vector<1x8xi32>
    %broadcast_in_dim3A_198 = arith.constant 0 : i32
    %broadcast_in_dim3A_199 = vector.broadcast %broadcast_in_dim3A_198 : i32 to vector<1x1xi32>
    %slice3A_200 = vector.extract_strided_slice %add3A_197 {offsets = [0, 0], sizes = [1, 7], strides = [1, 1]} : vector<1x8xi32> to vector<1x7xi32>
    %concatenate3A_201 = tpu.concatenate %broadcast_in_dim3A_199, %slice3A_200 in 1 : vector<1x1xi32>, vector<1x7xi32> -> vector<1x8xi32>
    %add3A_202 = arith.addi %concatenate3A_201, %mul3A_182 : vector<1x8xi32>
    %mul3A_203 = vector.broadcast %concatenate3A_201 : vector<1x8xi32> to vector<2048x8xi32>
    %mul3A_204 = arith.muli %convert_element_type3A, %mul3A_203 : vector<2048x8xi32>
    %reduce_sum3A = arith.constant dense<0> : vector<2048xi32>
    %reduce_sum3A_205 = vector.multi_reduction <add>, %mul3A_204, %reduce_sum3A [1] : vector<2048x8xi32> to vector<2048xi32>
    %broadcast_in_dim3A_206 = vector.shape_cast %reduce_sum3A_205 : vector<2048xi32> to vector<2048x1xi32>
    %add3A_207 = arith.addi %concatenate3A_201, %slice3A_148 : vector<1x8xi32>
    %mul3A_208 = vector.broadcast %add3A_207 : vector<1x8xi32> to vector<2048x8xi32>
    %mul3A_209 = arith.muli %convert_element_type3A_39, %mul3A_208 : vector<2048x8xi32>
    %reduce_sum3A_210 = arith.constant dense<0> : vector<2048xi32>
    %reduce_sum3A_211 = vector.multi_reduction <add>, %mul3A_209, %reduce_sum3A_210 [1] : vector<2048x8xi32> to vector<2048xi32>
    %broadcast_in_dim3A_212 = vector.shape_cast %reduce_sum3A_211 : vector<2048xi32> to vector<2048x1xi32>
    %sub3A_213 = arith.subi %add3A_92, %convert_element_type3A : vector<2048x8xi32>
    %mul3A_214 = arith.muli %convert_element_type3A, %sub3A_213 : vector<2048x8xi32>
    %reduce_sum3A_215 = arith.constant dense<0> : vector<2048xi32>
    %reduce_sum3A_216 = vector.multi_reduction <add>, %mul3A_214, %reduce_sum3A_215 [1] : vector<2048x8xi32> to vector<2048xi32>
    %broadcast_in_dim3A_217 = vector.shape_cast %reduce_sum3A_216 : vector<2048xi32> to vector<2048x1xi32>
    %sub3A_218 = arith.subi %add3A_147, %convert_element_type3A_39 : vector<2048x8xi32>
    %mul3A_219 = arith.muli %convert_element_type3A_39, %sub3A_218 : vector<2048x8xi32>
    %reduce_sum3A_220 = arith.constant dense<0> : vector<2048xi32>
    %reduce_sum3A_221 = vector.multi_reduction <add>, %mul3A_219, %reduce_sum3A_220 [1] : vector<2048x8xi32> to vector<2048xi32>
    %broadcast_in_dim3A_222 = vector.shape_cast %reduce_sum3A_221 : vector<2048xi32> to vector<2048x1xi32>
    %add3A_223 = arith.addi %broadcast_in_dim3A_206, %broadcast_in_dim3A_217 : vector<2048x1xi32>
    %swap3A_224 = arith.constant 0 : index
    %swap3A_225 = arith.constant 0 : index
    %swap3A_226 = vector.load %arg1[%swap3A_224, %swap3A_225] : memref<2048x1xi32, #tpu.memory_space<vmem>>, vector<2048x1xi32>
    tpu.vector_store %arg1[%swap3A_224, %swap3A_225], %add3A_223 {strides = array<i32>} : memref<2048x1xi32, #tpu.memory_space<vmem>>, vector<2048x1xi32>,
    %add3A_227 = arith.addi %broadcast_in_dim3A_212, %broadcast_in_dim3A_222 : vector<2048x1xi32>
    %swap3A_228 = arith.constant 0 : index
    %swap3A_229 = arith.constant 0 : index
    %swap3A_230 = vector.load %arg2[%swap3A_228, %swap3A_229] : memref<2048x1xi32, #tpu.memory_space<vmem>>, vector<2048x1xi32>
    tpu.vector_store %arg2[%swap3A_228, %swap3A_229], %add3A_227 {strides = array<i32>} : memref<2048x1xi32, #tpu.memory_space<vmem>>, vector<2048x1xi32>,
    %iota3A_231 = tpu.iota {dimensions = array<i32: 0>} : vector<39x8xi32>
    %mul3A_232 = arith.constant 128 : i32
    %mul3A_233 = vector.broadcast %mul3A_232 : i32 to vector<39x8xi32>
    %mul3A_234 = arith.muli %iota3A_231, %mul3A_233 : vector<39x8xi32>
    %ge3A = vector.broadcast %add3A_202 : vector<1x8xi32> to vector<39x8xi32>
    %ge3A_235 = arith.cmpi sge, %mul3A_234, %ge3A : vector<39x8xi32>
    %convert_element_type3A_236 = arith.extui %ge3A_235 : vector<39x8xi1> to vector<39x8xi32>
    %reduce_sum3A_237 = arith.constant dense<0> : vector<39xi32>
    %reduce_sum3A_238 = vector.multi_reduction <add>, %convert_element_type3A_236, %reduce_sum3A_237 [1] : vector<39x8xi32> to vector<39xi32>
    %broadcast_in_dim3A_239 = vector.shape_cast %reduce_sum3A_238 : vector<39xi32> to vector<39x1xi32>
    %min3A = arith.constant 7 : i32
    %min3A_240 = vector.broadcast %min3A : i32 to vector<39x1xi32>
    %min3A_241 = arith.minsi %broadcast_in_dim3A_239, %min3A_240 : vector<39x1xi32>
    %swap3A_242 = arith.constant 0 : index
    %swap3A_243 = arith.constant 0 : index
    %swap3A_244 = vector.load %arg5[%swap3A_242, %swap3A_243] : memref<39x1xi32, #tpu.memory_space<vmem>>, vector<39x1xi32>
    tpu.vector_store %arg5[%swap3A_242, %swap3A_243], %min3A_241 {strides = array<i32>} : memref<39x1xi32, #tpu.memory_space<vmem>>, vector<39x1xi32>,
    %reduce_sum3A_245 = arith.constant dense<0> : vector<1xi32>
    %reduce_sum3A_246 = vector.multi_reduction <add>, %mul3A_182, %reduce_sum3A_245 [1] : vector<1x8xi32> to vector<1xi32>
    %broadcast_in_dim3A_247 = vector.shape_cast %reduce_sum3A_246 : vector<1xi32> to vector<1x1xi32>
    %jit3A_248 = arith.constant 128 : i32
    %div3A_249 = vector.broadcast %jit3A_248 : i32 to vector<1x1xi32>
    %div3A_250 = arith.divsi %broadcast_in_dim3A_247, %div3A_249 : vector<1x1xi32>
    %sign3A_251 = arith.constant 0 : i32
    %sign3A_252 = vector.broadcast %sign3A_251 : i32 to vector<1x1xi32>
    %sign3A_253 = arith.cmpi sgt, %broadcast_in_dim3A_247, %sign3A_252 : vector<1x1xi32>
    %sign3A_254 = arith.extui %sign3A_253 : vector<1x1xi1> to vector<1x1xi32>
    %sign3A_255 = arith.constant 0 : i32
    %sign3A_256 = vector.broadcast %sign3A_255 : i32 to vector<1x1xi32>
    %sign3A_257 = arith.cmpi slt, %broadcast_in_dim3A_247, %sign3A_256 : vector<1x1xi32>
    %sign3A_258 = arith.extui %sign3A_257 : vector<1x1xi1> to vector<1x1xi32>
    %sign3A_259 = arith.subi %sign3A_254, %sign3A_258 : vector<1x1xi32>
    %sign3A_260 = arith.constant 0 : i32
    %sign3A_261 = arith.cmpi sgt, %jit3A_248, %sign3A_260 : i32
    %sign3A_262 = arith.extui %sign3A_261 : i1 to i32
    %sign3A_263 = arith.constant 0 : i32
    %sign3A_264 = arith.cmpi slt, %jit3A_248, %sign3A_263 : i32
    %sign3A_265 = arith.extui %sign3A_264 : i1 to i32
    %sign3A_266 = arith.subi %sign3A_262, %sign3A_265 : i32
    %ne3A_267 = vector.broadcast %sign3A_266 : i32 to vector<1x1xi32>
    %ne3A_268 = arith.cmpi ne, %sign3A_259, %ne3A_267 : vector<1x1xi32>
    %rem3A_269 = vector.broadcast %jit3A_248 : i32 to vector<1x1xi32>
    %rem3A_270 = arith.remsi %broadcast_in_dim3A_247, %rem3A_269 : vector<1x1xi32>
    %ne3A_271 = arith.constant 0 : i32
    %ne3A_272 = vector.broadcast %ne3A_271 : i32 to vector<1x1xi32>
    %ne3A_273 = arith.cmpi ne, %rem3A_270, %ne3A_272 : vector<1x1xi32>
    %and3A_274 = arith.andi %ne3A_268, %ne3A_273 : vector<1x1xi1>
    %sub3A_275 = arith.constant 1 : i32
    %sub3A_276 = vector.broadcast %sub3A_275 : i32 to vector<1x1xi32>
    %sub3A_277 = arith.subi %div3A_250, %sub3A_276 : vector<1x1xi32>
    %select_n3A_278 = arith.select %and3A_274, %sub3A_277, %div3A_250 : vector<1x1xi1>, vector<1x1xi32>
    %swap3A_279 = arith.constant 0 : index
    %swap3A_280 = arith.constant 0 : index
    %swap3A_281 = vector.load %arg6[%swap3A_279, %swap3A_280] : memref<1x1xi32, #tpu.memory_space<vmem>>, vector<1x1xi32>
    tpu.vector_store %arg6[%swap3A_279, %swap3A_280], %select_n3A_278 {strides = array<i32>} : memref<1x1xi32, #tpu.memory_space<vmem>>, vector<1x1xi32>,
    return
  }
}

module attributes {stable_mosaic.version = 14 : i64} {
  func.func @_ffn_body(%arg0: i32, %arg1: memref<39xi32, #tpu.memory_space<smem>>, %arg2: memref<1xi32, #tpu.memory_space<smem>>, %arg3: memref<128x768xf32, #tpu.memory_space<vmem>>, %arg4: memref<1x768x3072xf32, #tpu.memory_space<vmem>>, %arg5: memref<1x768x3072xf32, #tpu.memory_space<vmem>>, %arg6: memref<1x3072x768xf32, #tpu.memory_space<vmem>>, %arg7: memref<128x768xf32, #tpu.memory_space<vmem>>) attributes {dimension_semantics = [#tpu.dimension_semantics<arbitrary>], iteration_bounds = array<i64: 39>, scalar_prefetch = 2 : i64, scratch_operands = 0 : i64, tpu.core_type = #tpu.core_type<tc>, window_params = [{transform_indices = @transform_0, window_bounds = array<i64: 128, 768>}, {transform_indices = @transform_1, window_bounds = array<i64: 1, 768, 3072>}, {transform_indices = @transform_2, window_bounds = array<i64: 1, 768, 3072>}, {transform_indices = @transform_3, window_bounds = array<i64: 1, 3072, 768>}, {transform_indices = @transform_4, window_bounds = array<i64: 128, 768>}]} {
    %get3A = arith.constant 0 : index
    %get3A_0 = memref.load %arg2[%get3A] : memref<1xi32, #tpu.memory_space<smem>>
    %lt3A = arith.cmpi slt, %arg0, %get3A_0 : i32
    %convert_element_type3A = arith.extui %lt3A : i1 to i32
    %cond3A = arith.constant 0 : i32
    %cond3A_1 = arith.cmpi ne, %convert_element_type3A, %cond3A : i32
    scf.if %cond3A_1 {
      %get3A_2 = arith.constant 0 : index
      %get3A_3 = arith.constant 0 : index
      %get3A_4 = vector.load %arg3[%get3A_2, %get3A_3] : memref<128x768xf32, #tpu.memory_space<vmem>>, vector<128x768xf32>
      %get3A_5 = arith.constant 0 : index
      %get3A_6 = arith.constant 0 : index
      %get3A_7 = arith.constant 0 : index
      %get3A_8 = vector.load %arg4[%get3A_5, %get3A_6, %get3A_7] : memref<1x768x3072xf32, #tpu.memory_space<vmem>>, vector<1x768x3072xf32>
      %get3A_9 = vector.shape_cast %get3A_8 : vector<1x768x3072xf32> to vector<768x3072xf32>
      %dot_general3A = arith.constant dense<0.000000e+00> : vector<128x3072xf32>
      %dot_general3A_10 = tpu.matmul %get3A_4, %get3A_9, %dot_general3A {dimension_numbers = #tpu.dot_dimension_numbers<[1], [0], [0], [1], [0, 0, 1, 1], [], []>, transpose_lhs_hint = false} : vector<128x768xf32>, vector<768x3072xf32>, vector<128x3072xf32> -> vector<128x3072xf32>
      %get3A_11 = arith.constant 0 : index
      %get3A_12 = arith.constant 0 : index
      %get3A_13 = arith.constant 0 : index
      %get3A_14 = vector.load %arg5[%get3A_11, %get3A_12, %get3A_13] : memref<1x768x3072xf32, #tpu.memory_space<vmem>>, vector<1x768x3072xf32>
      %get3A_15 = vector.shape_cast %get3A_14 : vector<1x768x3072xf32> to vector<768x3072xf32>
      %dot_general3A_16 = arith.constant dense<0.000000e+00> : vector<128x3072xf32>
      %dot_general3A_17 = tpu.matmul %get3A_4, %get3A_15, %dot_general3A_16 {dimension_numbers = #tpu.dot_dimension_numbers<[1], [0], [0], [1], [0, 0, 1, 1], [], []>, transpose_lhs_hint = false} : vector<128x768xf32>, vector<768x3072xf32>, vector<128x3072xf32> -> vector<128x3072xf32>
      %neg3A = arith.constant 0.000000e+00 : f32
      %neg3A_18 = vector.broadcast %neg3A : f32 to vector<128x3072xf32>
      %neg3A_19 = arith.subf %neg3A_18, %dot_general3A_10 : vector<128x3072xf32>
      %exp3A = math.exp %neg3A_19 : vector<128x3072xf32>
      %add3A = arith.constant 1.000000e+00 : f32
      %add3A_20 = vector.broadcast %add3A : f32 to vector<128x3072xf32>
      %add3A_21 = arith.addf %add3A_20, %exp3A : vector<128x3072xf32>
      %div3A = arith.divf %dot_general3A_10, %add3A_21 : vector<128x3072xf32>
      %mul3A = arith.mulf %div3A, %dot_general3A_17 : vector<128x3072xf32>
      %get3A_22 = arith.constant 0 : index
      %get3A_23 = arith.constant 0 : index
      %get3A_24 = arith.constant 0 : index
      %get3A_25 = vector.load %arg6[%get3A_22, %get3A_23, %get3A_24] : memref<1x3072x768xf32, #tpu.memory_space<vmem>>, vector<1x3072x768xf32>
      %get3A_26 = vector.shape_cast %get3A_25 : vector<1x3072x768xf32> to vector<3072x768xf32>
      %dot_general3A_27 = arith.constant dense<0.000000e+00> : vector<128x768xf32>
      %dot_general3A_28 = tpu.matmul %mul3A, %get3A_26, %dot_general3A_27 {dimension_numbers = #tpu.dot_dimension_numbers<[1], [0], [0], [1], [0, 0, 1, 1], [], []>, transpose_lhs_hint = false} : vector<128x3072xf32>, vector<3072x768xf32>, vector<128x768xf32> -> vector<128x768xf32>
      %swap3A = arith.constant 0 : index
      %swap3A_29 = arith.constant 0 : index
      %swap3A_30 = vector.load %arg7[%swap3A, %swap3A_29] : memref<128x768xf32, #tpu.memory_space<vmem>>, vector<128x768xf32>
      tpu.vector_store %arg7[%swap3A, %swap3A_29], %dot_general3A_28 {strides = array<i32>} : memref<128x768xf32, #tpu.memory_space<vmem>>, vector<128x768xf32>,
    } else {
    }
    return
  }
  func.func @transform_0(%arg0: i32, %arg1: memref<39xi32, #tpu.memory_space<smem>>, %arg2: memref<1xi32, #tpu.memory_space<smem>>) -> (i32, i32) {
    %c0_i32 = arith.constant 0 : i32
    %c0_i32_0 = arith.constant 0 : i32
    return %arg0, %c0_i32 : i32, i32
  }
  func.func @transform_1(%arg0: i32, %arg1: memref<39xi32, #tpu.memory_space<smem>>, %arg2: memref<1xi32, #tpu.memory_space<smem>>) -> (i32, i32, i32) {
    %get3A = arith.constant 0 : index
    %get3A_0 = memref.load %arg2[%get3A] : memref<1xi32, #tpu.memory_space<smem>>
    %sub3A = arith.constant 1 : i32
    %sub3A_1 = arith.subi %get3A_0, %sub3A : i32
    %min3A = arith.minsi %arg0, %sub3A_1 : i32
    %get3A_2 = arith.index_cast %min3A : i32 to index
    %get3A_3 = memref.load %arg1[%get3A_2] : memref<39xi32, #tpu.memory_space<smem>>
    %c0_i32 = arith.constant 0 : i32
    %c0_i32_4 = arith.constant 0 : i32
    %c0_i32_5 = arith.constant 0 : i32
    return %get3A_3, %c0_i32, %c0_i32_4 : i32, i32, i32
  }
  func.func @transform_2(%arg0: i32, %arg1: memref<39xi32, #tpu.memory_space<smem>>, %arg2: memref<1xi32, #tpu.memory_space<smem>>) -> (i32, i32, i32) {
    %get3A = arith.constant 0 : index
    %get3A_0 = memref.load %arg2[%get3A] : memref<1xi32, #tpu.memory_space<smem>>
    %sub3A = arith.constant 1 : i32
    %sub3A_1 = arith.subi %get3A_0, %sub3A : i32
    %min3A = arith.minsi %arg0, %sub3A_1 : i32
    %get3A_2 = arith.index_cast %min3A : i32 to index
    %get3A_3 = memref.load %arg1[%get3A_2] : memref<39xi32, #tpu.memory_space<smem>>
    %c0_i32 = arith.constant 0 : i32
    %c0_i32_4 = arith.constant 0 : i32
    %c0_i32_5 = arith.constant 0 : i32
    return %get3A_3, %c0_i32, %c0_i32_4 : i32, i32, i32
  }
  func.func @transform_3(%arg0: i32, %arg1: memref<39xi32, #tpu.memory_space<smem>>, %arg2: memref<1xi32, #tpu.memory_space<smem>>) -> (i32, i32, i32) {
    %get3A = arith.constant 0 : index
    %get3A_0 = memref.load %arg2[%get3A] : memref<1xi32, #tpu.memory_space<smem>>
    %sub3A = arith.constant 1 : i32
    %sub3A_1 = arith.subi %get3A_0, %sub3A : i32
    %min3A = arith.minsi %arg0, %sub3A_1 : i32
    %get3A_2 = arith.index_cast %min3A : i32 to index
    %get3A_3 = memref.load %arg1[%get3A_2] : memref<39xi32, #tpu.memory_space<smem>>
    %c0_i32 = arith.constant 0 : i32
    %c0_i32_4 = arith.constant 0 : i32
    %c0_i32_5 = arith.constant 0 : i32
    return %get3A_3, %c0_i32, %c0_i32_4 : i32, i32, i32
  }
  func.func @transform_4(%arg0: i32, %arg1: memref<39xi32, #tpu.memory_space<smem>>, %arg2: memref<1xi32, #tpu.memory_space<smem>>) -> (i32, i32) {
    %c0_i32 = arith.constant 0 : i32
    %c0_i32_0 = arith.constant 0 : i32
    return %arg0, %c0_i32 : i32, i32
  }
}

module attributes {stable_mosaic.version = 14 : i64} {
  func.func @_mix_body(%arg0: memref<2048x1xf32, #tpu.memory_space<vmem>>, %arg1: memref<2048x1xf32, #tpu.memory_space<vmem>>, %arg2: memref<2048x768xf32, #tpu.memory_space<vmem>>, %arg3: memref<2048x768xf32, #tpu.memory_space<vmem>>, %arg4: memref<2048x768xf32, #tpu.memory_space<vmem>>) attributes {dimension_semantics = [], scalar_prefetch = 0 : i64, scratch_operands = 0 : i64, tpu.core_type = #tpu.core_type<tc>} {
    %get3A = arith.constant 0 : index
    %get3A_0 = arith.constant 0 : index
    %get3A_1 = vector.load %arg0[%get3A, %get3A_0] : memref<2048x1xf32, #tpu.memory_space<vmem>>, vector<2048x1xf32>
    %get3A_2 = arith.constant 0 : index
    %get3A_3 = arith.constant 0 : index
    %get3A_4 = vector.load %arg2[%get3A_2, %get3A_3] : memref<2048x768xf32, #tpu.memory_space<vmem>>, vector<2048x768xf32>
    %mul3A = vector.broadcast %get3A_1 : vector<2048x1xf32> to vector<2048x768xf32>
    %mul3A_5 = arith.mulf %mul3A, %get3A_4 : vector<2048x768xf32>
    %get3A_6 = arith.constant 0 : index
    %get3A_7 = arith.constant 0 : index
    %get3A_8 = vector.load %arg1[%get3A_6, %get3A_7] : memref<2048x1xf32, #tpu.memory_space<vmem>>, vector<2048x1xf32>
    %get3A_9 = arith.constant 0 : index
    %get3A_10 = arith.constant 0 : index
    %get3A_11 = vector.load %arg3[%get3A_9, %get3A_10] : memref<2048x768xf32, #tpu.memory_space<vmem>>, vector<2048x768xf32>
    %mul3A_12 = vector.broadcast %get3A_8 : vector<2048x1xf32> to vector<2048x768xf32>
    %mul3A_13 = arith.mulf %mul3A_12, %get3A_11 : vector<2048x768xf32>
    %add3A = arith.addf %mul3A_5, %mul3A_13 : vector<2048x768xf32>
    %swap3A = arith.constant 0 : index
    %swap3A_14 = arith.constant 0 : index
    %swap3A_15 = vector.load %arg4[%swap3A, %swap3A_14] : memref<2048x768xf32, #tpu.memory_space<vmem>>, vector<2048x768xf32>
    tpu.vector_store %arg4[%swap3A, %swap3A_14], %add3A {strides = array<i32>} : memref<2048x768xf32, #tpu.memory_space<vmem>>, vector<2048x768xf32>,
    return
  }
}

</mosaic_0001>

<sc_bundles>
// kernel: kernel.10.cloned.1.call-start
scs
__scs_entry_jumppad:
0x0: {  	(pc) =	sbr.rel $0x88, $3  }
0x1: {  	(tag) =	ssettag $0x0;
	lr =	simm.s32 $0x1  }
0x2: {  	[smem:$0x3F9C] =	sst lr;
	_ =	strace $0xD0000000  }
0x3: {  	_ = 	snop  }
0x4: {  	_ = 	snop  }
0x5: {  	_ = 	snop  }
0x6: {  	_ = 	snop  }
0x7: {  	_ = 	snop  }
__scs_overlays_trampoline_lowered:
0x8: {  	[smem:$0x3FAB] =	sst s0  }
0x9: {  	[smem:$0x3FAC] =	sst s1  }
0xa: {  	[smem:$0x3FAD] =	sst s2  }
0xb: {  	[smem:$0x3FAE] =	sst s3  }
0xc: {  	[smem:$0x3FAF] =	sst s4  }
0xd: {  	[smem:$0x3FB0] =	sst s5  }
0xe: {  	[smem:$0x3FB1] =	sst s6  }
0xf: {  	[smem:$0x3FB2] =	sst s7  }
0x10: {  	[smem:$0x3FB3] =	sst s8  }
0x11: {  	[smem:$0x3FB4] =	sst s9;
	s0 =	simm.s32 @!p0 $0x0  }
0x12: {  	s1 =	sld [smem:$0x3F9A];
	s0 =	simm.s32 @p0 $0x1  }
0x13: {  	[smem:$0x3FB5] =	sst s0;
	s0 =	simm.s32 @!p1 $0x0  }
0x14: {  	s2 =	sld [smem:$0x3F99];
	s0 =	simm.s32 @p1 $0x1  }
0x15: {  	[smem:$0x3FB6] =	sst s0;
	s0 =	simm.s32 @!p2 $0x0  }
0x16: {  	s3 =	sld [smem:$0x3FDB];
	s0 =	simm.s32 @p2 $0x1  }
0x17: {  	s4 =	simm.s32 $0x1BF5;
	[smem:$0x3FB8] =	sst s0  }
0x18: {  	s0 =	sld [smem:$0x3F9B];
	_ =	swait.ge [sflag:s4], $0x0  }
0x19: {  	s7 =	sld [smem:$0x3F9C]  }
0x1a: {  	s8 =	sadd.s32 $0xFFFFE003, lr  }
0x1b: {  	s9 =	sadd.s32 $0xFFFFFEF7, lr;
	s5 =	simm.s32 $0xFFFFFFFF;
	p2 =	slt.u32 s8, $0xFFFFF086  }
0x1c: {  	p1 =	slt.u32 s9, $0xF7A;
	s5 =	simm.s32 @!p2 $0x0  }
0x1d: {  	s5 =	simm.s32 @p1 $0x1;
	p0 =	seq.s32 s7, s2  }
0x1e: {  	s7 =	smul.u32 @!p0 $0xF7A, s2;
	p2 =	seq.s32 @!p0 s5, $0x0  }
0x1f: {  	s9 =	smul.u32 $0xF7A, s1;
	s8 =	simm.s32 @!p0 $0x1BF5;
	p2 =	por !p2, p0  }
0x20: {  	[sflag:s8] =	ssyncset.s32 @!p0 $0xFFFFF086;
	s6 =	sadd.s32 @!p0 s3, s7;
	s7 =	simm.s32 @!p0 $0x108  }
0x21: {  	s3 =	sadd.s32 s3, s9;
	s6 =	sadd.s32 @!p0 $0x88, s6;
	s7 =	simm.s32 @p2 $0x1082  }
0x22: {  	[simem:s7], [sflag:s8] =	dma.local @!p0 [hbm:s6], $0xF7A  }
0x23: {  	s9 =	sor.u32 $0xD0000000, s2;
	s6 =	simm.s32 $0x108;
	_ =	swait.ge @!p0 [sflag:s8], $0x0  }
0x24: {  	s3 =	sadd.s32 $0x88, s3;
	s6 =	simm.s32 @!p1 $0x1082;
	[sflag:s4] =	ssyncset.s32 $0xFFFFF086  }
0x25: {  	[simem:s6], [sflag:s4] =	dma.local [hbm:s3], $0xF7A  }
0x26: {  	[smem:$0x3F9C] =	sst s1;
	(tag) =	ssettag s2;
	_ =	strace s9  }
0x27: {  	s1 =	sld [smem:$0x3FAC]  }
0x28: {  	s2 =	sld [smem:$0x3FAD]  }
0x29: {  	s4 =	sld [smem:$0x3FAF]  }
0x2a: {  	p0 =	seq.s32 s5, $0x0;
	s5 =	sld [smem:$0x3FB0]  }
0x2b: {  	s6 =	sld [smem:$0x3FB1]  }
0x2c: {  	s7 =	sld [smem:$0x3FB2]  }
0x2d: {  	s3 =	simm.s32 $0x108;
	s8 =	sld [smem:$0x3FB3]  }
0x2e: {  	s3 =	simm.s32 @!p0 $0x1082;
	s9 =	sld [smem:$0x3FB4]  }
0x2f: {  	lr =	sadd.s32 s0, s3;
	s0 =	sld [smem:$0x3FAB]  }
0x30: {  	s3 =	sld [smem:$0x3FAE]  }
0x31: {  	[smem:$0x3FB7] =	sst s10  }
0x32: {  	s10 =	sld [smem:$0x3FB5];
	_ =	sdelay $0x3  }
0x33: {  	p0 =	seq.s32 s10, $0x1;
	s10 =	sld [smem:$0x3FB7];
	_ =	sdelay $0x3  }
0x34: {  	[smem:$0x3FB7] =	sst s10  }
0x35: {  	s10 =	sld [smem:$0x3FB6];
	_ =	sdelay $0x3  }
0x36: {  	p1 =	seq.s32 s10, $0x1;
	s10 =	sld [smem:$0x3FB7];
	_ =	sdelay $0x3  }
0x37: {  	[smem:$0x3FB7] =	sst s10  }
0x38: {  	s10 =	sld [smem:$0x3FB8]  }
0x39: {  	_ = 	snop;
	(pc) =	sbr.ind lr, $3  }
0x3a: {  	_ = 	snop  }
0x3b: {  	_ = 	snop  }
0x3c: {  	p2 =	seq.s32 s10, $0x1;
	s10 =	sld [smem:$0x3FB7]  }
0x3d: {  	_ =	shalt  }
0x3e: {  	_ =	shalt  }
0x3f: {  	_ =	shalt  }
0x40: {  	_ =	shalt  }
0x41: {  	_ =	shalt  }
0x42: {  	_ =	shalt  }
0x43: {  	_ =	shalt  }
0x44: {  	_ =	shalt  }
0x45: {  	_ =	shalt  }
0x46: {  	_ =	shalt  }
0x47: {  	_ =	shalt  }
0x48: {  	_ =	shalt  }
0x49: {  	_ =	shalt  }
0x4a: {  	_ =	shalt  }
0x4b: {  	_ =	shalt  }
0x4c: {  	_ =	shalt  }
0x4d: {  	_ =	shalt  }
0x4e: {  	_ =	shalt  }
0x4f: {  	_ =	shalt  }
0x50: {  	_ =	shalt  }
0x51: {  	_ =	shalt  }
0x52: {  	_ =	shalt  }
0x53: {  	_ =	shalt  }
0x54: {  	_ =	shalt  }
0x55: {  	_ =	shalt  }
0x56: {  	_ =	shalt  }
0x57: {  	_ =	shalt  }
0x58: {  	_ =	shalt  }
0x59: {  	_ =	shalt  }
0x5a: {  	_ =	shalt  }
0x5b: {  	_ =	shalt  }
0x5c: {  	_ =	shalt  }
0x5d: {  	_ =	shalt  }
0x5e: {  	_ =	shalt  }
0x5f: {  	_ =	shalt  }
0x60: {  	_ =	shalt  }
0x61: {  	_ =	shalt  }
0x62: {  	_ =	shalt  }
0x63: {  	_ =	shalt  }
0x64: {  	_ =	shalt  }
0x65: {  	_ =	shalt  }
0x66: {  	_ =	shalt  }
0x67: {  	_ =	shalt  }
0x68: {  	_ =	shalt  }
0x69: {  	_ =	shalt  }
0x6a: {  	_ =	shalt  }
0x6b: {  	_ =	shalt  }
0x6c: {  	_ =	shalt  }
0x6d: {  	_ =	shalt  }
0x6e: {  	_ =	shalt  }
0x6f: {  	_ =	shalt  }
0x70: {  	_ =	shalt  }
0x71: {  	_ =	shalt  }
0x72: {  	_ =	shalt  }
0x73: {  	_ =	shalt  }
0x74: {  	_ =	shalt  }
0x75: {  	_ =	shalt  }
0x76: {  	_ =	shalt  }
0x77: {  	_ =	shalt  }
0x78: {  	_ =	shalt  }
0x79: {  	_ =	shalt  }
0x7a: {  	_ =	shalt  }
0x7b: {  	_ =	shalt  }
0x7c: {  	_ =	shalt  }
0x7d: {  	_ =	shalt  }
0x7e: {  	_ =	shalt  }
0x7f: {  	_ =	shalt  }
0x80: {  	_ =	shalt  }
0x81: {  	_ =	shalt  }
0x82: {  	_ =	shalt  }
0x83: {  	_ =	shalt  }
0x84: {  	_ =	shalt  }
0x85: {  	_ =	shalt  }
0x86: {  	_ =	shalt  }
0x87: {  	_ =	shalt  }
.Lfunc_end0:
.L_simem_size_0:
called_computation.1_lowered:
.L_overlay_start_0:
0x88: {  	s2 =	sld [smem:$0x3FD9]  }
0x89: {  	s3 =	sld [smem:$0x3FFE];
	_ =	sdelay $0x1  }
0x8a: {  	s1 =	srdreg.scid  }
0x8b: {  	s0 =	sand.u32 $0x1, s1  }
0x8c: {  	s17 =	sshll.u32 s0, $0xA;
	s2 =	sadd.s32 s3, s2  }
0x8d: {  	s2 =	sadd.s32 s2, s17  }
0x8e: {  	[smem:$0x3FC3] =	sst s2  }
0x8f: {  	_ = 	snop  }
0x90: {  	s2 =	sld [smem:$0x3FD0];
	(tm) =	ssettm $0x1  }
0x91: {  	s18 =	sld [smem:$0x3FFB];
	_ =	sdelay $0x3  }
0x92: {  	_ =	strace s18  }
0x93: {  	s3 =	sld [smem:$0x3FFC];
	_ =	sdelay $0x3  }
0x94: {  	_ =	strace s3  }
0x95: {  	s3 =	sld [smem:$0x3FFD];
	_ =	sdelay $0x3  }
0x96: {  	_ =	strace s3  }
0x97: {  	_ =	strace $0x8FFFFFFF  }
0x98: {  	s19 =	sld [smem:$0x3FDB];
	_ =	sdelay $0x1  }
0x99: {  	s4 =	simm.s32 $_scs_section_size  }
0x9a: {  	s5 =	simm.s32 $_size__tile_overlayer_lowered;
	s6 =	simm.s32 $_tile_overlayer_lowered  }
0x9b: {  	s22 =	simm.s32 $0x1BFF;
	s21 =	sshll.u32 s6, $0x1;
	s3 =	sadd.s32 s4, s19  }
0x9c: {  	s7 =	simm.s32 $0x0;
	s20 =	sshll.u32 s5, $0x1;
	s5 =	sadd.s32 s21, s3  }
0x9d: {  	[timem:s7], [sflag:s22] =	dma.local [hbm:s5], s20  }
0x9e: {  	_ =	swait.ge [sflag:s22], s20  }
0x9f: {  	s4 =	ssub.s32 $0x0, s20;
	[sflag:s22] =	ssyncset.done $0x0  }
0xa0: {  	[sflag:s22] =	ssyncadd.s32 s4;
	_ =	sdelay $0x1  }
0xa1: {  	s23 =	simm.s32 $0x1B8B  }
0xa2: {  	_ =	swait.ge [sflag:s23], $0x1  }
0xa3: {  	[sflag:s23] =	ssyncset.done $0x0  }
0xa4: {  	s25 =	simm.s32 $0x1B8E;
	s24 =	sld [smem:$0x3FFE];
	[sflag:s23] =	ssyncadd.s32 $0xFFFFFFFF  }
0xa5: {  	s26 =	simm.s32 $execute0_lowered;
	[smem:$0x3FD2] =	sst s25  }
0xa6: {  	s5 =	sshll.u32 s26, $0x1;
	_ =	strace $0x80000049;
	[dreg:$0x1] =	wrdreg $0xFFFFFFFF  }
0xa7: {  	s28 =	simm.s32 $_size_execute0_lowered;
	s3 =	sadd.s32 s3, s5;
	[dreg:$0x0] =	wrdreg $0x0  }
0xa8: {  	s5 =	sshll.u32 s28, $0x1;
	[dreg:$0x2] =	wrdreg s3  }
0xa9: {  	[dreg:$0x3] =	wrdreg s5  }
0xaa: {  	[dreg:$0x4] =	wrdreg $0xC0  }
0xab: {  	_ =	task [dreg:s7], $0x5FFFF  }
0xac: {  	[dreg:$0x1] =	wrdreg $0xFFFFFFFF  }
0xad: {  	[dreg:$0x0] =	wrdreg $0x60  }
0xae: {  	[dreg:$0x2] =	wrdreg s24  }
0xaf: {  	[dreg:$0x3] =	wrdreg s2  }
0xb0: {  	[dreg:$0x4] =	wrdreg $0x9  }
0xb1: {  	_ =	task.clear_ibuf [dreg:s7], $0x5FFFF;
	_ =	strace $0x90000049  }
0xb2: {  	s29 =	simm.s32 $0x9;
	_ =	strace $0x8000004B  }
0xb3: {  	_ =	swait.ge [sflag:s29], $0x1  }
0xb4: {  	[sflag:s29] =	ssyncadd.s32 $0xFFFFFFFF  }
0xb5: {  	_ =	strace $0x9000004B  }
0xb6: {  	_ =	sfence  }
0xb7: {  	s30 =	sld [smem:$0x0];
	_ =	sdelay $0x2  }
0xb8: {  	s31 =	sshll.u32 s1, $0xD;
	s1 =	sshrl.u32 s1, $0x2  }
0xb9: {  	s3 =	sand.u32 $0x4000, s31;
	s1 =	sadd.s32 s1, s30  }
0xba: {  	s0 =	sor.u32 s3, s0;
	s1 =	sshll.u32 s1, $0x11  }
0xbb: {  	s0 =	sor.u32 s1, s0  }
0xbc: {  	s0 =	sadd.s32 $0x8F2B, s0  }
0xbd: {  	[sflag:s0] =	ssyncadd.remote.s32 $0x1  }
0xbe: {  	_ =	sfence.sel $0xFFFF  }
0xbf: {  	[dreg:$0x0] =	wrdreg $0xFFFFFFFF;
	(pc) =	sbr.abs _section_cstart, $3  }
0xc0: {  	[dreg:$0x1] =	wrdreg $0xFFFFFFFF  }
0xc1: {  	_ =	task.clear_ibuf [dreg:s7], $0x2FFFF;
	_ =	strace $0x9FFFFFFF  }
0xc2: {  	(tm) =	ssettm $0x7FFFFFFF  }
0xc3: {  	_ =	shalt  }
tec
execute0_lowered:
.L_overlay_start_1:
0x0: {  	(tag) =	ssettag $0x1  }
0x1: {  	s2 =	srdreg.scid;
	s1 =	rddreg [dreg:$0x0]  }
0x2: {  	s3 =	rddreg [dreg:$0x1];
	s4 =	sand.u32 $0x1, s2;
	s2 =	simm.s32 $0x0  }
0x3: {  	s23 =	simm.s32 $0x80;
	[smem:$0x7FF] =	sst s2  }
0x4: {  	s24 =	simm.s32 $0x900;
	_ =	strace $0x8000004A;
	[dreg:$0x7] =	wrdreg s23  }
0x5: {  	s25 =	simm.s32 $0x1100;
	[dreg:$0x8] =	wrdreg s24  }
0x6: {  	s0 =	stileid.u32;
	s26 =	simm.s32 $0x1900;
	[dreg:$0x9] =	wrdreg s25  }
0x7: {  	s5 =	sshll.u32 s0, $0x4;
	s0 =	simm.s32 $0x2100;
	[dreg:$0xa] =	wrdreg s26  }
0x8: {  	s8 =	simm.s32 $0x4100;
	[dreg:$0xb] =	wrdreg s0  }
0x9: {  	s9 =	simm.s32 $0x4900;
	[dreg:$0xf] =	wrdreg s8  }
0xa: {  	s10 =	simm.s32 $0x5100;
	[dreg:$0x10] =	wrdreg s9  }
0xb: {  	s11 =	simm.s32 $0x5900;
	[dreg:$0x11] =	wrdreg s10  }
0xc: {  	s12 =	simm.s32 $0x6100;
	[dreg:$0x12] =	wrdreg s11  }
0xd: {  	s13 =	simm.s32 $0x6900;
	[dreg:$0x13] =	wrdreg s12  }
0xe: {  	s14 =	simm.s32 $0x7100;
	s15 =	simm.s32 $0x7900;
	[dreg:$0x14] =	wrdreg s13  }
0xf: {  	s16 =	simm.s32 $0x8100;
	s17 =	simm.s32 $0x8900;
	[dreg:$0x15] =	wrdreg s14  }
0x10: {  	s18 =	simm.s32 $0x9100;
	s20 =	simm.s32 $0x9900;
	[dreg:$0x16] =	wrdreg s15  }
0x11: {  	s28 =	simm.s32 $0x16100;
	s29 =	simm.s32 $0x16900;
	[dreg:$0x17] =	wrdreg s16  }
0x12: {  	s30 =	simm.s32 $0x17100;
	s31 =	simm.s32 $0x17900;
	[dreg:$0x18] =	wrdreg s17  }
0x13: {  	s6 =	sshll.u32 s4, $0x3;
	s4 =	ssub.s32 $0x2, s4;
	[dreg:$0x19] =	wrdreg s18  }
0x14: {  	s5 =	sor.u32 s6, s5;
	s19 =	sshrl.u32 s4, $0x1;
	[dreg:$0x1a] =	wrdreg s20  }
0x15: {  	s23 =	simm.s32 $0xB100;
	s24 =	simm.s32 $0xB900;
	s25 =	simm.s32 $0xC900  }
0x16: {  	s8 =	simm.s32 $0x100;
	s26 =	simm.s32 $0xD100;
	s9 =	simm.s32 $0xC100  }
0x17: {  	s11 =	simm.s32 $0xE100;
	s12 =	simm.s32 $0xE900;
	s13 =	simm.s32 $0xF100  }
0x18: {  	s14 =	simm.s32 $0xF900;
	s15 =	simm.s32 $0x10100;
	[dreg:$0x1d] =	wrdreg s23  }
0x19: {  	s16 =	simm.s32 $0x10900;
	s17 =	simm.s32 $0x11100;
	[dreg:$0x1e] =	wrdreg s24  }
0x1a: {  	s18 =	simm.s32 $0x11900;
	s6 =	sadd.s32 s5, s1;
	[dreg:$0x1f] =	wrdreg s25  }
0x1b: {  	s5 =	smul.u32 $0x300, s5;
	[smem:$0x7FD] =	sst s26;
	s7 =	sadd.s32 $0x10A00, s6  }
0x1c: {  	s20 =	simm.s32 $0x12900;
	s6 =	sadd.s32 $0x10C00, s6;
	[dreg:$0x3] =	wrdreg s7  }
0x1d: {  	s23 =	simm.s32 $0x14100;
	[dreg:$0x4] =	wrdreg s6;
	s3 =	sadd.s32 s3, s5  }
0x1e: {  	s21 =	sadd.s32 s5, s1;
	s5 =	simm.s32 $0x2900;
	[dreg:$0x5] =	wrdreg s3  }
0x1f: {  	s24 =	simm.s32 $0x14900;
	s6 =	simm.s32 $0x3100;
	[dreg:$0xc] =	wrdreg s5  }
0x20: {  	s25 =	simm.s32 $0x15100;
	s7 =	simm.s32 $0x3900;
	[dreg:$0xd] =	wrdreg s6  }
0x21: {  	s26 =	simm.s32 $0x15900;
	s22 =	sadd.s32 $0x10E00, s21;
	[dreg:$0xe] =	wrdreg s7  }
0x22: {  	s3 =	sadd.s32 $0x86000, s1;
	s6 =	ssub.s32 s4, s19;
	s21 =	simm.s32 $0xA100  }
0x23: {  	s4 =	sadd.s32 $0x86100, s1;
	s5 =	sadd.s32 $0x86200, s1;
	s7 =	simm.s32 $0x2  }
0x24: {  	v2 =	vlaneseq.u32;
	s19 =	simm.s32 $0x12100;
	s1 =	simm.s32 $0x1;
	[dreg:$0x6] =	wrdreg s22  }
0x25: {  	vm0 =	vmmov $0xffff;
	v1 =	vshrl.u32 v2, $0x3;
	[dreg:$0x1b] =	wrdreg s21;
	s22 =	simm.s32 $0xA900;
	s6 =	smax.u32 s6, $0x1  }
0x26: {  	v0 =	vand.u32 $0x7, v2;
	v2 =	vor.u32 $0x8, v2;
	v1 =	vmul.u32 $0x8, v1;
	s21 =	simm.s32 $0x13100;
	[dreg:$0x1c] =	wrdreg s22;
	s22 =	simm.s32 $0x13900  }
.LBB2_1:
0x27: {  	s0 =	rddreg [dreg:$0x3]  }
0x28: {  	[tilespmem:s2], [sflag:$0x2] =	stream.linear.gather [hbm4b:s0+s2], $0x40, $0x38;
	[tilespmem:$0x18100] =	vst v63  }
0x29: {  	_ =	swait.ge [sflag:s7], $0x40  }
0x2a: {  	s0 =	rddreg [dreg:$0x4];
	[sflag:s7] =	ssyncset.done $0x0  }
0x2b: {  	s10 =	rddreg [dreg:$0x7];
	[sflag:s7] =	ssyncadd.s32 $0xFFFFFFC0  }
0x2c: {  	[tilespmem:s10], [sflag:$0x2] =	stream.linear.gather [hbm4b:s0+s2], $0x40, $0x38;
	[tilespmem:$0x18100] =	vst v63  }
0x2d: {  	_ =	swait.ge [sflag:s7], $0x40  }
0x2e: {  	[sflag:s7] =	ssyncset.done $0x0  }
0x2f: {  	[sflag:s7] =	ssyncadd.s32 $0xFFFFFFC0  }
0x30: {  	v3 =	vld [tilespmem:$0x0];
	_ =	sdelay $0x4  }
0x31: {  	v4 =	vshrl.u32 v3, $0x3  }
0x32: {  	v4 =	vmul.u32 $0x30, v4  }
0x33: {  	v3 =	vand.u32 $0x7, v3  }
0x34: {  	v3 =	vor.u32 v3, v4  }
0x35: {  	v4 =	vperm.xlane v3, v0;
	_ =	sdelay $0x1  }
0x36: {  	v4 =	vadd.s32 v1, v4;
	_ =	sdelay $0x3  }
0x37: {  	v3 =	vperm.xlane v3, v2  }
0x38: {  	[tilespmem:s8], [sflag:$0x1] =	stream.indirect_vreg.gather [hbm4b:s3+s2], $0x80, v4, vm0, $0xb8;
	[tilespmem:$0x18100] =	vst v63  }
0x39: {  	s0 =	rddreg [dreg:$0x8];
	v3 =	vadd.s32 v1, v3  }
0x3a: {  	[tilespmem:s0], [sflag:$0x1] =	stream.indirect_vreg.gather [hbm4b:s4+s2], $0x80, v4, vm0, $0xb8;
	[tilespmem:$0x18100] =	vst v63  }
0x3b: {  	s10 =	rddreg [dreg:$0x9]  }
0x3c: {  	[tilespmem:s10], [sflag:$0x1] =	stream.indirect_vreg.gather [hbm4b:s5+s2], $0x80, v4, vm0, $0xb8;
	[tilespmem:$0x18100] =	vst v63  }
0x3d: {  	s0 =	rddreg [dreg:$0xa]  }
0x3e: {  	[tilespmem:s0], [sflag:$0x1] =	stream.indirect_vreg.gather [hbm4b:s3+s2], $0x80, v3, vm0, $0xb8;
	[tilespmem:$0x18100] =	vst v63  }
0x3f: {  	s10 =	rddreg [dreg:$0xb]  }
0x40: {  	[tilespmem:s10], [sflag:$0x1] =	stream.indirect_vreg.gather [hbm4b:s4+s2], $0x80, v3, vm0, $0xb8;
	[tilespmem:$0x18100] =	vst v63  }
0x41: {  	s0 =	rddreg [dreg:$0xc]  }
0x42: {  	[tilespmem:s0], [sflag:$0x1] =	stream.indirect_vreg.gather [hbm4b:s5+s2], $0x80, v3, vm0, $0xb8;
	[tilespmem:$0x18100] =	vst v63  }
0x43: {  	v3 =	vld [tilespmem:$0x10];
	_ =	sdelay $0x4  }
0x44: {  	v57 =	vshrl.u32 v3, $0x3  }
0x45: {  	v4 =	vmul.u32 $0x30, v57  }
0x46: {  	v3 =	vand.u32 $0x7, v3  }
0x47: {  	v3 =	vor.u32 v3, v4  }
0x48: {  	v4 =	vperm.xlane v3, v0;
	_ =	sdelay $0x1  }
0x49: {  	v4 =	vadd.s32 v1, v4;
	_ =	sdelay $0x3  }
0x4a: {  	s0 =	rddreg [dreg:$0xd];
	v3 =	vperm.xlane v3, v2  }
0x4b: {  	[tilespmem:s0], [sflag:$0x1] =	stream.indirect_vreg.gather [hbm4b:s3+s2], $0x80, v4, vm0, $0xb8;
	[tilespmem:$0x18100] =	vst v63  }
0x4c: {  	s10 =	rddreg [dreg:$0xe];
	v3 =	vadd.s32 v1, v3  }
0x4d: {  	[tilespmem:s10], [sflag:$0x1] =	stream.indirect_vreg.gather [hbm4b:s4+s2], $0x80, v4, vm0, $0xb8;
	[tilespmem:$0x18100] =	vst v63  }
0x4e: {  	s0 =	rddreg [dreg:$0xf]  }
0x4f: {  	[tilespmem:s0], [sflag:$0x1] =	stream.indirect_vreg.gather [hbm4b:s5+s2], $0x80, v4, vm0, $0xb8;
	[tilespmem:$0x18100] =	vst v63  }
0x50: {  	s10 =	rddreg [dreg:$0x10]  }
0x51: {  	[tilespmem:s10], [sflag:$0x1] =	stream.indirect_vreg.gather [hbm4b:s3+s2], $0x80, v3, vm0, $0xb8;
	[tilespmem:$0x18100] =	vst v63  }
0x52: {  	s0 =	rddreg [dreg:$0x11]  }
0x53: {  	[tilespmem:s0], [sflag:$0x1] =	stream.indirect_vreg.gather [hbm4b:s4+s2], $0x80, v3, vm0, $0xb8;
	[tilespmem:$0x18100] =	vst v63  }
0x54: {  	s10 =	rddreg [dreg:$0x12]  }
0x55: {  	[tilespmem:s10], [sflag:$0x1] =	stream.indirect_vreg.gather [hbm4b:s5+s2], $0x80, v3, vm0, $0xb8;
	[tilespmem:$0x18100] =	vst v63  }
0x56: {  	v3 =	vld [tilespmem:$0x20];
	_ =	sdelay $0x4  }
0x57: {  	v58 =	vshrl.u32 v3, $0x3  }
0x58: {  	v4 =	vmul.u32 $0x30, v58  }
0x59: {  	v3 =	vand.u32 $0x7, v3  }
0x5a: {  	v3 =	vor.u32 v3, v4  }
0x5b: {  	v4 =	vperm.xlane v3, v0;
	_ =	sdelay $0x1  }
0x5c: {  	v4 =	vadd.s32 v1, v4;
	_ =	sdelay $0x3  }
0x5d: {  	s0 =	rddreg [dreg:$0x13];
	v3 =	vperm.xlane v3, v2  }
0x5e: {  	[tilespmem:s0], [sflag:$0x1] =	stream.indirect_vreg.gather [hbm4b:s3+s2], $0x80, v4, vm0, $0xb8;
	[tilespmem:$0x18100] =	vst v63  }
0x5f: {  	s10 =	rddreg [dreg:$0x14];
	v3 =	vadd.s32 v1, v3  }
0x60: {  	[tilespmem:s10], [sflag:$0x1] =	stream.indirect_vreg.gather [hbm4b:s4+s2], $0x80, v4, vm0, $0xb8;
	[tilespmem:$0x18100] =	vst v63  }
0x61: {  	s0 =	rddreg [dreg:$0x15]  }
0x62: {  	[tilespmem:s0], [sflag:$0x1] =	stream.indirect_vreg.gather [hbm4b:s5+s2], $0x80, v4, vm0, $0xb8;
	[tilespmem:$0x18100] =	vst v63  }
0x63: {  	s10 =	rddreg [dreg:$0x16]  }
0x64: {  	[tilespmem:s10], [sflag:$0x1] =	stream.indirect_vreg.gather [hbm4b:s3+s2], $0x80, v3, vm0, $0xb8;
	[tilespmem:$0x18100] =	vst v63  }
0x65: {  	s0 =	rddreg [dreg:$0x17]  }
0x66: {  	[tilespmem:s0], [sflag:$0x1] =	stream.indirect_vreg.gather [hbm4b:s4+s2], $0x80, v3, vm0, $0xb8;
	[tilespmem:$0x18100] =	vst v63  }
0x67: {  	s10 =	rddreg [dreg:$0x18]  }
0x68: {  	[tilespmem:s10], [sflag:$0x1] =	stream.indirect_vreg.gather [hbm4b:s5+s2], $0x80, v3, vm0, $0xb8;
	[tilespmem:$0x18100] =	vst v63  }
0x69: {  	v3 =	vld [tilespmem:$0x30];
	_ =	sdelay $0x4  }
0x6a: {  	v59 =	vshrl.u32 v3, $0x3  }
0x6b: {  	v4 =	vmul.u32 $0x30, v59  }
0x6c: {  	v3 =	vand.u32 $0x7, v3  }
0x6d: {  	v3 =	vor.u32 v3, v4  }
0x6e: {  	v4 =	vperm.xlane v3, v0;
	_ =	sdelay $0x1  }
0x6f: {  	v4 =	vadd.s32 v1, v4;
	_ =	sdelay $0x3  }
0x70: {  	s0 =	rddreg [dreg:$0x19];
	v3 =	vperm.xlane v3, v2  }
0x71: {  	[tilespmem:s0], [sflag:$0x1] =	stream.indirect_vreg.gather [hbm4b:s3+s2], $0x80, v4, vm0, $0xb8;
	[tilespmem:$0x18100] =	vst v63  }
0x72: {  	s10 =	rddreg [dreg:$0x1a];
	v3 =	vadd.s32 v1, v3  }
0x73: {  	[tilespmem:s10], [sflag:$0x1] =	stream.indirect_vreg.gather [hbm4b:s4+s2], $0x80, v4, vm0, $0xb8;
	[tilespmem:$0x18100] =	vst v63  }
0x74: {  	s0 =	rddreg [dreg:$0x1b]  }
0x75: {  	[tilespmem:s0], [sflag:$0x1] =	stream.indirect_vreg.gather [hbm4b:s5+s2], $0x80, v4, vm0, $0xb8;
	[tilespmem:$0x18100] =	vst v63  }
0x76: {  	s10 =	rddreg [dreg:$0x1c]  }
0x77: {  	[tilespmem:s10], [sflag:$0x1] =	stream.indirect_vreg.gather [hbm4b:s3+s2], $0x80, v3, vm0, $0xb8;
	[tilespmem:$0x18100] =	vst v63  }
0x78: {  	s0 =	rddreg [dreg:$0x1d]  }
0x79: {  	[tilespmem:s0], [sflag:$0x1] =	stream.indirect_vreg.gather [hbm4b:s4+s2], $0x80, v3, vm0, $0xb8;
	[tilespmem:$0x18100] =	vst v63  }
0x7a: {  	s10 =	rddreg [dreg:$0x1e]  }
0x7b: {  	[tilespmem:s10], [sflag:$0x1] =	stream.indirect_vreg.gather [hbm4b:s5+s2], $0x80, v3, vm0, $0xb8;
	[tilespmem:$0x18100] =	vst v63  }
0x7c: {  	v3 =	vld [tilespmem:$0x80];
	_ =	sdelay $0x4  }
0x7d: {  	v60 =	vshrl.u32 v3, $0x3  }
0x7e: {  	v4 =	vmul.u32 $0x30, v60  }
0x7f: {  	v3 =	vand.u32 $0x7, v3  }
0x80: {  	v3 =	vor.u32 v3, v4  }
0x81: {  	v4 =	vperm.xlane v3, v0;
	_ =	sdelay $0x1  }
0x82: {  	v4 =	vadd.s32 v1, v4;
	_ =	sdelay $0x3  }
0x83: {  	s0 =	rddreg [dreg:$0x1f];
	v3 =	vperm.xlane v3, v2  }
0x84: {  	[tilespmem:s9], [sflag:$0x1] =	stream.indirect_vreg.gather [hbm4b:s3+s2], $0x80, v4, vm0, $0xb8;
	[tilespmem:$0x18100] =	vst v63  }
0x85: {  	s10 =	sld [smem:$0x7FD];
	v3 =	vadd.s32 v1, v3  }
0x86: {  	[tilespmem:s0], [sflag:$0x1] =	stream.indirect_vreg.gather [hbm4b:s4+s2], $0x80, v4, vm0, $0xb8;
	[tilespmem:$0x18100] =	vst v63  }
0x87: {  	_ = 	snop  }
0x88: {  	[tilespmem:s10], [sflag:$0x1] =	stream.indirect_vreg.gather [hbm4b:s5+s2], $0x80, v4, vm0, $0xb8;
	[tilespmem:$0x18100] =	vst v63  }
0x89: {  	s10 =	simm.s32 $0xD900  }
0x8a: {  	[tilespmem:s10], [sflag:$0x1] =	stream.indirect_vreg.gather [hbm4b:s3+s2], $0x80, v3, vm0, $0xb8;
	[tilespmem:$0x18100] =	vst v63  }
0x8b: {  	_ = 	snop  }
0x8c: {  	[tilespmem:s11], [sflag:$0x1] =	stream.indirect_vreg.gather [hbm4b:s4+s2], $0x80, v3, vm0, $0xb8;
	[tilespmem:$0x18100] =	vst v63  }
0x8d: {  	_ = 	snop  }
0x8e: {  	[tilespmem:s12], [sflag:$0x1] =	stream.indirect_vreg.gather [hbm4b:s5+s2], $0x80, v3, vm0, $0xb8;
	[tilespmem:$0x18100] =	vst v63  }
0x8f: {  	v3 =	vld [tilespmem:$0x90];
	_ =	sdelay $0x4  }
0x90: {  	v61 =	vshrl.u32 v3, $0x3  }
0x91: {  	v4 =	vmul.u32 $0x30, v61  }
0x92: {  	v3 =	vand.u32 $0x7, v3  }
0x93: {  	v3 =	vor.u32 v3, v4  }
0x94: {  	v4 =	vperm.xlane v3, v0;
	_ =	sdelay $0x1  }
0x95: {  	v4 =	vadd.s32 v1, v4;
	_ =	sdelay $0x3  }
0x96: {  	v3 =	vperm.xlane v3, v2  }
0x97: {  	[tilespmem:s13], [sflag:$0x1] =	stream.indirect_vreg.gather [hbm4b:s3+s2], $0x80, v4, vm0, $0xb8;
	[tilespmem:$0x18100] =	vst v63  }
0x98: {  	v3 =	vadd.s32 v1, v3  }
0x99: {  	[tilespmem:s14], [sflag:$0x1] =	stream.indirect_vreg.gather [hbm4b:s4+s2], $0x80, v4, vm0, $0xb8;
	[tilespmem:$0x18100] =	vst v63  }
0x9a: {  	_ = 	snop  }
0x9b: {  	[tilespmem:s15], [sflag:$0x1] =	stream.indirect_vreg.gather [hbm4b:s5+s2], $0x80, v4, vm0, $0xb8;
	[tilespmem:$0x18100] =	vst v63  }
0x9c: {  	_ = 	snop  }
0x9d: {  	[tilespmem:s16], [sflag:$0x1] =	stream.indirect_vreg.gather [hbm4b:s3+s2], $0x80, v3, vm0, $0xb8;
	[tilespmem:$0x18100] =	vst v63  }
0x9e: {  	_ = 	snop  }
0x9f: {  	[tilespmem:s17], [sflag:$0x1] =	stream.indirect_vreg.gather [hbm4b:s4+s2], $0x80, v3, vm0, $0xb8;
	[tilespmem:$0x18100] =	vst v63  }
0xa0: {  	_ = 	snop  }
0xa1: {  	[tilespmem:s18], [sflag:$0x1] =	stream.indirect_vreg.gather [hbm4b:s5+s2], $0x80, v3, vm0, $0xb8;
	[tilespmem:$0x18100] =	vst v63  }
0xa2: {  	v3 =	vld [tilespmem:$0xA0];
	_ =	sdelay $0x4  }
0xa3: {  	v62 =	vshrl.u32 v3, $0x3  }
0xa4: {  	v4 =	vmul.u32 $0x30, v62  }
0xa5: {  	v3 =	vand.u32 $0x7, v3  }
0xa6: {  	v3 =	vor.u32 v3, v4  }
0xa7: {  	v4 =	vperm.xlane v3, v0;
	_ =	sdelay $0x1  }
0xa8: {  	v4 =	vadd.s32 v1, v4;
	_ =	sdelay $0x3  }
0xa9: {  	v3 =	vperm.xlane v3, v2  }
0xaa: {  	[tilespmem:s19], [sflag:$0x1] =	stream.indirect_vreg.gather [hbm4b:s3+s2], $0x80, v4, vm0, $0xb8;
	[tilespmem:$0x18100] =	vst v63  }
0xab: {  	v3 =	vadd.s32 v1, v3  }
0xac: {  	[tilespmem:s20], [sflag:$0x1] =	stream.indirect_vreg.gather [hbm4b:s4+s2], $0x80, v4, vm0, $0xb8;
	[tilespmem:$0x18100] =	vst v63  }
0xad: {  	_ = 	snop  }
0xae: {  	[tilespmem:s21], [sflag:$0x1] =	stream.indirect_vreg.gather [hbm4b:s5+s2], $0x80, v4, vm0, $0xb8;
	[tilespmem:$0x18100] =	vst v63  }
0xaf: {  	_ = 	snop  }
0xb0: {  	[tilespmem:s22], [sflag:$0x1] =	stream.indirect_vreg.gather [hbm4b:s3+s2], $0x80, v3, vm0, $0xb8;
	[tilespmem:$0x18100] =	vst v63  }
0xb1: {  	_ = 	snop  }
0xb2: {  	[tilespmem:s23], [sflag:$0x1] =	stream.indirect_vreg.gather [hbm4b:s4+s2], $0x80, v3, vm0, $0xb8;
	[tilespmem:$0x18100] =	vst v63  }
0xb3: {  	_ = 	snop  }
0xb4: {  	[tilespmem:s24], [sflag:$0x1] =	stream.indirect_vreg.gather [hbm4b:s5+s2], $0x80, v3, vm0, $0xb8;
	[tilespmem:$0x18100] =	vst v63  }
0xb5: {  	v3 =	vld [tilespmem:$0xB0];
	_ =	sdelay $0x4  }
0xb6: {  	v63 =	vshrl.u32 v3, $0x3  }
0xb7: {  	v4 =	vmul.u32 $0x30, v63  }
0xb8: {  	v3 =	vand.u32 $0x7, v3  }
0xb9: {  	v3 =	vor.u32 v3, v4  }
0xba: {  	v4 =	vperm.xlane v3, v0;
	_ =	sdelay $0x1  }
0xbb: {  	v4 =	vadd.s32 v1, v4;
	_ =	sdelay $0x3  }
0xbc: {  	v3 =	vperm.xlane v3, v2  }
0xbd: {  	[tilespmem:s25], [sflag:$0x1] =	stream.indirect_vreg.gather [hbm4b:s3+s2], $0x80, v4, vm0, $0xb8;
	[tilespmem:$0x18100] =	vst v63  }
0xbe: {  	v3 =	vadd.s32 v1, v3  }
0xbf: {  	[tilespmem:s26], [sflag:$0x1] =	stream.indirect_vreg.gather [hbm4b:s4+s2], $0x80, v4, vm0, $0xb8;
	[tilespmem:$0x18100] =	vst v63  }
0xc0: {  	_ = 	snop  }
0xc1: {  	[tilespmem:s28], [sflag:$0x1] =	stream.indirect_vreg.gather [hbm4b:s5+s2], $0x80, v4, vm0, $0xb8;
	[tilespmem:$0x18100] =	vst v63  }
0xc2: {  	_ = 	snop  }
0xc3: {  	[tilespmem:s29], [sflag:$0x1] =	stream.indirect_vreg.gather [hbm4b:s3+s2], $0x80, v3, vm0, $0xb8;
	[tilespmem:$0x18100] =	vst v63  }
0xc4: {  	_ = 	snop  }
0xc5: {  	[tilespmem:s30], [sflag:$0x1] =	stream.indirect_vreg.gather [hbm4b:s4+s2], $0x80, v3, vm0, $0xb8;
	[tilespmem:$0x18100] =	vst v63  }
0xc6: {  	_ = 	snop  }
0xc7: {  	[tilespmem:s31], [sflag:$0x1] =	stream.indirect_vreg.gather [hbm4b:s5+s2], $0x80, v3, vm0, $0xb8;
	[tilespmem:$0x18100] =	vst v63  }
0xc8: {  	_ =	swait.ge [sflag:s1], $0xC000  }
0xc9: {  	[sflag:s1] =	ssyncset.done $0x0  }
0xca: {  	[sflag:s1] =	ssyncadd.s32 $0xFFFF4000  }
0xcb: {  	_ =	swait.ge [sflag:s1], $0xC000  }
0xcc: {  	[sflag:s1] =	ssyncset.done $0x0  }
0xcd: {  	s10 =	rddreg [dreg:$0x5];
	[sflag:s1] =	ssyncadd.s32 $0xFFFF4000  }
0xce: {  	[hbm4b:s10+s2] =	stream.linear.scatter [tilespmem:s8], [sflag:$0x2], $0xC000, $0x38;
	[tilespmem:$0x18100] =	vst v63  }
0xcf: {  	_ =	swait.ge [sflag:s7], $0xC000  }
0xd0: {  	p0 =	sne.s32 s6, $0x1;
	[sflag:s7] =	ssyncset.done $0x0  }
.Ltmp0:
0xd1: {  	s10 =	rddreg [dreg:$0x6];
	[sflag:s7] =	ssyncadd.s32 $0xFFFF4000;
	(pc) =	sbr.rel @p0 .LBB2_1-.Ltmp0, $4  }
0xd2: {  	[hbm4b:s10+s2] =	stream.linear.scatter [tilespmem:s9], [sflag:$0x2], $0xC000, $0x38;
	[tilespmem:$0x18100] =	vst v63  }
0xd3: {  	_ =	swait.ge [sflag:s7], $0xC000  }
0xd4: {  	[sflag:s7] =	ssyncset.done $0x0  }
0xd5: {  	s6 =	sadd.s32 $0xFFFFFFFF, s6;
	[sflag:s7] =	ssyncadd.s32 $0xFFFF4000  }
0xd6: {  	_ =	sfence.sel $0x180000  }
0xd7: {  	[bflag:$0x0] =	sbarrier.arrive $0xFFFF  }
0xd8: {  	_ =	strace $0x9000004A  }
0xd9: {  	s0 =	stileid.u32;
	[bflag:$0x2] =	sbarrier.arrive $0xFFFF  }
0xda: {  	p0 =	sne.s32 s0, $0x0;
	s0 =	rddreg [dreg:$0x2]  }
0xdb: {  	s0 =	sadd.s32 @!p0 $0x100000, s0  }
0xdc: {  	[sflag:s0] =	ssyncadd.tile.s32 @!p0 $0x1;
	_ =	shalt  }
.Lfunc_end2:
_tile_overlayer_lowered:
.L_overlay_start_2:
0xdd: {  	(tag) =	ssettag $0x2  }
0xde: {  	s0 =	rddreg [dreg:$0x0];
	s2 =	stileid.u32  }
0xdf: {  	s1 =	rddreg [dreg:$0x1];
	p0 =	sne.s32 s2, $0x0  }
0xe0: {  	s3 =	rddreg [dreg:$0x2];
	[bflag:$0x3] =	sbarrier.arrive $0xFFFF;
	s2 =	simm.s32 @!p0 $0x1C02  }
0xe1: {  	[timem:s3], [sflag:s2] =	dma.local @!p0 [hbm:s0], s1  }
0xe2: {  	s0 =	simm.s32 @!p0 $0x2  }
0xe3: {  	_ =	swait.ge @!p0 [sflag:s0], s1  }
0xe4: {  	s1 =	ssub.s32 @!p0 $0x0, s1;
	[sflag:s0] =	ssyncset.done @!p0 $0x0  }
0xe5: {  	[sflag:s0] =	ssyncadd.s32 @!p0 s1  }
0xe6: {  	[bflag:$0x3] =	sbarrier.arrive $0xFFFF  }
0xe7: {  	_ =	shalt  }

// kernel: kernel.7.cloned.1.call-start
scs
__scs_entry_jumppad:
0x0: {  	(pc) =	sbr.rel $0x88, $3  }
0x1: {  	(tag) =	ssettag $0x0;
	lr =	simm.s32 $0x1  }
0x2: {  	[smem:$0x3F9C] =	sst lr;
	_ =	strace $0xD0000000  }
0x3: {  	_ = 	snop  }
0x4: {  	_ = 	snop  }
0x5: {  	_ = 	snop  }
0x6: {  	_ = 	snop  }
0x7: {  	_ = 	snop  }
__scs_overlays_trampoline_lowered:
0x8: {  	[smem:$0x3FAB] =	sst s0  }
0x9: {  	[smem:$0x3FAC] =	sst s1  }
0xa: {  	[smem:$0x3FAD] =	sst s2  }
0xb: {  	[smem:$0x3FAE] =	sst s3  }
0xc: {  	[smem:$0x3FAF] =	sst s4  }
0xd: {  	[smem:$0x3FB0] =	sst s5  }
0xe: {  	[smem:$0x3FB1] =	sst s6  }
0xf: {  	[smem:$0x3FB2] =	sst s7  }
0x10: {  	[smem:$0x3FB3] =	sst s8  }
0x11: {  	[smem:$0x3FB4] =	sst s9;
	s0 =	simm.s32 @!p0 $0x0  }
0x12: {  	s1 =	sld [smem:$0x3F9A];
	s0 =	simm.s32 @p0 $0x1  }
0x13: {  	[smem:$0x3FB5] =	sst s0;
	s0 =	simm.s32 @!p1 $0x0  }
0x14: {  	s2 =	sld [smem:$0x3F99];
	s0 =	simm.s32 @p1 $0x1  }
0x15: {  	[smem:$0x3FB6] =	sst s0;
	s0 =	simm.s32 @!p2 $0x0  }
0x16: {  	s3 =	sld [smem:$0x3FDB];
	s0 =	simm.s32 @p2 $0x1  }
0x17: {  	s4 =	simm.s32 $0x1BF5;
	[smem:$0x3FB8] =	sst s0  }
0x18: {  	s0 =	sld [smem:$0x3F9B];
	_ =	swait.ge [sflag:s4], $0x0  }
0x19: {  	s7 =	sld [smem:$0x3F9C]  }
0x1a: {  	s8 =	sadd.s32 $0xFFFFE003, lr  }
0x1b: {  	s9 =	sadd.s32 $0xFFFFFEF7, lr;
	s5 =	simm.s32 $0xFFFFFFFF;
	p2 =	slt.u32 s8, $0xFFFFF086  }
0x1c: {  	p1 =	slt.u32 s9, $0xF7A;
	s5 =	simm.s32 @!p2 $0x0  }
0x1d: {  	s5 =	simm.s32 @p1 $0x1;
	p0 =	seq.s32 s7, s2  }
0x1e: {  	s7 =	smul.u32 @!p0 $0xF7A, s2;
	p2 =	seq.s32 @!p0 s5, $0x0  }
0x1f: {  	s9 =	smul.u32 $0xF7A, s1;
	s8 =	simm.s32 @!p0 $0x1BF5;
	p2 =	por !p2, p0  }
0x20: {  	[sflag:s8] =	ssyncset.s32 @!p0 $0xFFFFF086;
	s6 =	sadd.s32 @!p0 s3, s7;
	s7 =	simm.s32 @!p0 $0x108  }
0x21: {  	s3 =	sadd.s32 s3, s9;
	s6 =	sadd.s32 @!p0 $0x88, s6;
	s7 =	simm.s32 @p2 $0x1082  }
0x22: {  	[simem:s7], [sflag:s8] =	dma.local @!p0 [hbm:s6], $0xF7A  }
0x23: {  	s9 =	sor.u32 $0xD0000000, s2;
	s6 =	simm.s32 $0x108;
	_ =	swait.ge @!p0 [sflag:s8], $0x0  }
0x24: {  	s3 =	sadd.s32 $0x88, s3;
	s6 =	simm.s32 @!p1 $0x1082;
	[sflag:s4] =	ssyncset.s32 $0xFFFFF086  }
0x25: {  	[simem:s6], [sflag:s4] =	dma.local [hbm:s3], $0xF7A  }
0x26: {  	[smem:$0x3F9C] =	sst s1;
	(tag) =	ssettag s2;
	_ =	strace s9  }
0x27: {  	s1 =	sld [smem:$0x3FAC]  }
0x28: {  	s2 =	sld [smem:$0x3FAD]  }
0x29: {  	s4 =	sld [smem:$0x3FAF]  }
0x2a: {  	p0 =	seq.s32 s5, $0x0;
	s5 =	sld [smem:$0x3FB0]  }
0x2b: {  	s6 =	sld [smem:$0x3FB1]  }
0x2c: {  	s7 =	sld [smem:$0x3FB2]  }
0x2d: {  	s3 =	simm.s32 $0x108;
	s8 =	sld [smem:$0x3FB3]  }
0x2e: {  	s3 =	simm.s32 @!p0 $0x1082;
	s9 =	sld [smem:$0x3FB4]  }
0x2f: {  	lr =	sadd.s32 s0, s3;
	s0 =	sld [smem:$0x3FAB]  }
0x30: {  	s3 =	sld [smem:$0x3FAE]  }
0x31: {  	[smem:$0x3FB7] =	sst s10  }
0x32: {  	s10 =	sld [smem:$0x3FB5];
	_ =	sdelay $0x3  }
0x33: {  	p0 =	seq.s32 s10, $0x1;
	s10 =	sld [smem:$0x3FB7];
	_ =	sdelay $0x3  }
0x34: {  	[smem:$0x3FB7] =	sst s10  }
0x35: {  	s10 =	sld [smem:$0x3FB6];
	_ =	sdelay $0x3  }
0x36: {  	p1 =	seq.s32 s10, $0x1;
	s10 =	sld [smem:$0x3FB7];
	_ =	sdelay $0x3  }
0x37: {  	[smem:$0x3FB7] =	sst s10  }
0x38: {  	s10 =	sld [smem:$0x3FB8]  }
0x39: {  	_ = 	snop;
	(pc) =	sbr.ind lr, $3  }
0x3a: {  	_ = 	snop  }
0x3b: {  	_ = 	snop  }
0x3c: {  	p2 =	seq.s32 s10, $0x1;
	s10 =	sld [smem:$0x3FB7]  }
0x3d: {  	_ =	shalt  }
0x3e: {  	_ =	shalt  }
0x3f: {  	_ =	shalt  }
0x40: {  	_ =	shalt  }
0x41: {  	_ =	shalt  }
0x42: {  	_ =	shalt  }
0x43: {  	_ =	shalt  }
0x44: {  	_ =	shalt  }
0x45: {  	_ =	shalt  }
0x46: {  	_ =	shalt  }
0x47: {  	_ =	shalt  }
0x48: {  	_ =	shalt  }
0x49: {  	_ =	shalt  }
0x4a: {  	_ =	shalt  }
0x4b: {  	_ =	shalt  }
0x4c: {  	_ =	shalt  }
0x4d: {  	_ =	shalt  }
0x4e: {  	_ =	shalt  }
0x4f: {  	_ =	shalt  }
0x50: {  	_ =	shalt  }
0x51: {  	_ =	shalt  }
0x52: {  	_ =	shalt  }
0x53: {  	_ =	shalt  }
0x54: {  	_ =	shalt  }
0x55: {  	_ =	shalt  }
0x56: {  	_ =	shalt  }
0x57: {  	_ =	shalt  }
0x58: {  	_ =	shalt  }
0x59: {  	_ =	shalt  }
0x5a: {  	_ =	shalt  }
0x5b: {  	_ =	shalt  }
0x5c: {  	_ =	shalt  }
0x5d: {  	_ =	shalt  }
0x5e: {  	_ =	shalt  }
0x5f: {  	_ =	shalt  }
0x60: {  	_ =	shalt  }
0x61: {  	_ =	shalt  }
0x62: {  	_ =	shalt  }
0x63: {  	_ =	shalt  }
0x64: {  	_ =	shalt  }
0x65: {  	_ =	shalt  }
0x66: {  	_ =	shalt  }
0x67: {  	_ =	shalt  }
0x68: {  	_ =	shalt  }
0x69: {  	_ =	shalt  }
0x6a: {  	_ =	shalt  }
0x6b: {  	_ =	shalt  }
0x6c: {  	_ =	shalt  }
0x6d: {  	_ =	shalt  }
0x6e: {  	_ =	shalt  }
0x6f: {  	_ =	shalt  }
0x70: {  	_ =	shalt  }
0x71: {  	_ =	shalt  }
0x72: {  	_ =	shalt  }
0x73: {  	_ =	shalt  }
0x74: {  	_ =	shalt  }
0x75: {  	_ =	shalt  }
0x76: {  	_ =	shalt  }
0x77: {  	_ =	shalt  }
0x78: {  	_ =	shalt  }
0x79: {  	_ =	shalt  }
0x7a: {  	_ =	shalt  }
0x7b: {  	_ =	shalt  }
0x7c: {  	_ =	shalt  }
0x7d: {  	_ =	shalt  }
0x7e: {  	_ =	shalt  }
0x7f: {  	_ =	shalt  }
0x80: {  	_ =	shalt  }
0x81: {  	_ =	shalt  }
0x82: {  	_ =	shalt  }
0x83: {  	_ =	shalt  }
0x84: {  	_ =	shalt  }
0x85: {  	_ =	shalt  }
0x86: {  	_ =	shalt  }
0x87: {  	_ =	shalt  }
.Lfunc_end0:
.L_simem_size_0:
called_computation_lowered:
.L_overlay_start_0:
0x88: {  	s2 =	sld [smem:$0x3FD9]  }
0x89: {  	s3 =	sld [smem:$0x3FFE];
	_ =	sdelay $0x1  }
0x8a: {  	s1 =	srdreg.scid  }
0x8b: {  	s0 =	sand.u32 $0x1, s1  }
0x8c: {  	s17 =	sshll.u32 s0, $0xA;
	s2 =	sadd.s32 s3, s2  }
0x8d: {  	s2 =	sadd.s32 s2, s17  }
0x8e: {  	[smem:$0x3FC3] =	sst s2  }
0x8f: {  	_ = 	snop  }
0x90: {  	s2 =	sld [smem:$0x3FC9];
	(tm) =	ssettm $0x1  }
0x91: {  	s18 =	sld [smem:$0x3FFB];
	_ =	sdelay $0x3  }
0x92: {  	_ =	strace s18  }
0x93: {  	s3 =	sld [smem:$0x3FFC];
	_ =	sdelay $0x3  }
0x94: {  	_ =	strace s3  }
0x95: {  	s3 =	sld [smem:$0x3FFD];
	_ =	sdelay $0x3  }
0x96: {  	_ =	strace s3  }
0x97: {  	_ =	strace $0x8FFFFFFF  }
0x98: {  	s19 =	sld [smem:$0x3FDB];
	_ =	sdelay $0x1  }
0x99: {  	s4 =	simm.s32 $_scs_section_size  }
0x9a: {  	s5 =	simm.s32 $_size__tile_overlayer_lowered;
	s6 =	simm.s32 $_tile_overlayer_lowered  }
0x9b: {  	s22 =	simm.s32 $0x1BFF;
	s21 =	sshll.u32 s6, $0x1;
	s3 =	sadd.s32 s4, s19  }
0x9c: {  	s7 =	simm.s32 $0x0;
	s20 =	sshll.u32 s5, $0x1;
	s5 =	sadd.s32 s21, s3  }
0x9d: {  	[timem:s7], [sflag:s22] =	dma.local [hbm:s5], s20  }
0x9e: {  	_ =	swait.ge [sflag:s22], s20  }
0x9f: {  	s4 =	ssub.s32 $0x0, s20;
	[sflag:s22] =	ssyncset.done $0x0  }
0xa0: {  	[sflag:s22] =	ssyncadd.s32 s4;
	_ =	sdelay $0x1  }
0xa1: {  	s23 =	simm.s32 $0x1B8B  }
0xa2: {  	_ =	swait.ge [sflag:s23], $0x1  }
0xa3: {  	[sflag:s23] =	ssyncset.done $0x0  }
0xa4: {  	s25 =	simm.s32 $0x1B8E;
	s24 =	sld [smem:$0x3FFE];
	[sflag:s23] =	ssyncadd.s32 $0xFFFFFFFF  }
0xa5: {  	s26 =	simm.s32 $execute0_lowered;
	[smem:$0x3FD2] =	sst s25  }
0xa6: {  	s5 =	sshll.u32 s26, $0x1;
	_ =	strace $0x80000046;
	[dreg:$0x1] =	wrdreg $0xFFFFFFFF  }
0xa7: {  	s28 =	simm.s32 $_size_execute0_lowered;
	s3 =	sadd.s32 s3, s5;
	[dreg:$0x0] =	wrdreg $0x0  }
0xa8: {  	s5 =	sshll.u32 s28, $0x1;
	[dreg:$0x2] =	wrdreg s3  }
0xa9: {  	[dreg:$0x3] =	wrdreg s5  }
0xaa: {  	[dreg:$0x4] =	wrdreg $0xC0  }
0xab: {  	_ =	task [dreg:s7], $0x5FFFF  }
0xac: {  	[dreg:$0x1] =	wrdreg $0xFFFFFFFF  }
0xad: {  	[dreg:$0x0] =	wrdreg $0x60  }
0xae: {  	[dreg:$0x2] =	wrdreg s2  }
0xaf: {  	[dreg:$0x3] =	wrdreg s24  }
0xb0: {  	[dreg:$0x4] =	wrdreg $0x9  }
0xb1: {  	_ =	task.clear_ibuf [dreg:s7], $0x5FFFF;
	_ =	strace $0x90000046  }
0xb2: {  	s29 =	simm.s32 $0x9;
	_ =	strace $0x80000048  }
0xb3: {  	_ =	swait.ge [sflag:s29], $0x1  }
0xb4: {  	[sflag:s29] =	ssyncadd.s32 $0xFFFFFFFF  }
0xb5: {  	_ =	strace $0x90000048  }
0xb6: {  	_ =	sfence  }
0xb7: {  	s30 =	sld [smem:$0x0];
	_ =	sdelay $0x2  }
0xb8: {  	s31 =	sshll.u32 s1, $0xD;
	s1 =	sshrl.u32 s1, $0x2  }
0xb9: {  	s3 =	sand.u32 $0x4000, s31;
	s1 =	sadd.s32 s1, s30  }
0xba: {  	s0 =	sor.u32 s3, s0;
	s1 =	sshll.u32 s1, $0x11  }
0xbb: {  	s0 =	sor.u32 s1, s0  }
0xbc: {  	s0 =	sadd.s32 $0x8F2B, s0  }
0xbd: {  	[sflag:s0] =	ssyncadd.remote.s32 $0x1  }
0xbe: {  	_ =	sfence.sel $0xFFFF  }
0xbf: {  	[dreg:$0x0] =	wrdreg $0xFFFFFFFF;
	(pc) =	sbr.abs _section_cstart, $3  }
0xc0: {  	[dreg:$0x1] =	wrdreg $0xFFFFFFFF  }
0xc1: {  	_ =	task.clear_ibuf [dreg:s7], $0x2FFFF;
	_ =	strace $0x9FFFFFFF  }
0xc2: {  	(tm) =	ssettm $0x7FFFFFFF  }
0xc3: {  	_ =	shalt  }
tec
execute0_lowered:
.L_overlay_start_1:
0x0: {  	(tag) =	ssettag $0x1  }
0x1: {  	s0 =	rddreg [dreg:$0x0]  }
0x2: {  	s1 =	rddreg [dreg:$0x1]  }
0x3: {  	s2 =	srdreg.scid;
	s3 =	stileid.u32  }
0x4: {  	s26 =	simm.s32 $0x80;
	s8 =	simm.s32 $0x100;
	s11 =	simm.s32 $0x1900  }
0x5: {  	s12 =	simm.s32 $0x2100;
	s13 =	simm.s32 $0x2900;
	s14 =	simm.s32 $0x3100  }
0x6: {  	s15 =	simm.s32 $0x3900;
	s16 =	simm.s32 $0x4100;
	s17 =	simm.s32 $0x4900  }
0x7: {  	s18 =	simm.s32 $0x5100;
	s19 =	simm.s32 $0x5900;
	s20 =	simm.s32 $0x6100  }
0x8: {  	s21 =	simm.s32 $0x6900;
	s22 =	simm.s32 $0x7100;
	s23 =	simm.s32 $0x7900  }
0x9: {  	s28 =	simm.s32 $0x9900;
	s29 =	simm.s32 $0xA100;
	s30 =	simm.s32 $0xA900  }
0xa: {  	s31 =	simm.s32 $0xB100;
	s4 =	sand.u32 $0x1, s2;
	s2 =	simm.s32 $0x0  }
0xb: {  	s3 =	sshll.u32 s3, $0x4;
	s5 =	sshll.u32 s4, $0x3;
	[smem:$0x7FF] =	sst s2  }
0xc: {  	s4 =	ssub.s32 $0x2, s4;
	s5 =	sor.u32 s5, s3;
	_ =	strace $0x80000047  }
0xd: {  	s3 =	sadd.s32 $0x10E00, s1;
	s24 =	sshrl.u32 s4, $0x1;
	[dreg:$0x6] =	wrdreg s26  }
0xe: {  	s26 =	simm.s32 $0x9100;
	s6 =	sadd.s32 s5, s1;
	s5 =	smul.u32 $0x300, s5  }
0xf: {  	s25 =	ssub.s32 s4, s24;
	s4 =	sadd.s32 $0x10F00, s1;
	s7 =	sadd.s32 $0x10A00, s6  }
0x10: {  	s24 =	simm.s32 $0x8100;
	s6 =	sadd.s32 $0x10C00, s6;
	[dreg:$0x3] =	wrdreg s7  }
0x11: {  	v2 =	vlaneseq.u32;
	[dreg:$0x4] =	wrdreg s6;
	s0 =	sadd.s32 s0, s5;
	s5 =	sadd.s32 $0x11000, s1  }
0x12: {  	vm0 =	vmmov $0xffff;
	v1 =	vshrl.u32 v2, $0x3;
	s6 =	smax.u32 s25, $0x1;
	s7 =	simm.s32 $0x2;
	s25 =	simm.s32 $0x8900  }
0x13: {  	v0 =	vand.u32 $0x7, v2;
	v2 =	vor.u32 $0x8, v2;
	v1 =	vmul.u32 $0x8, v1;
	s1 =	simm.s32 $0x1;
	[dreg:$0x5] =	wrdreg s0;
	s0 =	simm.s32 $0xB900  }
.LBB2_1:
0x14: {  	s9 =	rddreg [dreg:$0x3]  }
0x15: {  	[tilespmem:s2], [sflag:$0x2] =	stream.linear.gather [hbm4b:s9+s2], $0x40, $0x38;
	[tilespmem:$0xC100] =	vst v63  }
0x16: {  	_ =	swait.ge [sflag:s7], $0x40  }
0x17: {  	s9 =	rddreg [dreg:$0x4];
	[sflag:s7] =	ssyncset.done $0x0  }
0x18: {  	s10 =	rddreg [dreg:$0x6];
	[sflag:s7] =	ssyncadd.s32 $0xFFFFFFC0  }
0x19: {  	[tilespmem:s10], [sflag:$0x2] =	stream.linear.gather [hbm4b:s9+s2], $0x40, $0x38;
	[tilespmem:$0xC100] =	vst v63  }
0x1a: {  	_ =	swait.ge [sflag:s7], $0x40  }
0x1b: {  	[sflag:s7] =	ssyncset.done $0x0  }
0x1c: {  	s10 =	rddreg [dreg:$0x5];
	[sflag:s7] =	ssyncadd.s32 $0xFFFFFFC0  }
0x1d: {  	[tilespmem:s8], [sflag:$0x2] =	stream.linear.gather [hbm4b:s10+s2], $0xC000, $0x38;
	[tilespmem:$0xC100] =	vst v63  }
0x1e: {  	_ =	swait.ge [sflag:s7], $0xC000  }
0x1f: {  	[sflag:s7] =	ssyncset.done $0x0  }
0x20: {  	[sflag:s7] =	ssyncadd.s32 $0xFFFF4000  }
0x21: {  	v3 =	vld [tilespmem:$0x0];
	_ =	sdelay $0x4  }
0x22: {  	v4 =	vshrl.u32 v3, $0x3  }
0x23: {  	v4 =	vmul.u32 $0x30, v4  }
0x24: {  	v3 =	vand.u32 $0x7, v3  }
0x25: {  	v3 =	vor.u32 v3, v4  }
0x26: {  	v4 =	vperm.xlane v3, v0;
	_ =	sdelay $0x1  }
0x27: {  	v4 =	vadd.s32 v1, v4;
	_ =	sdelay $0x3  }
0x28: {  	v3 =	vperm.xlane v3, v2  }
0x29: {  	[hbm4b:s3+s2] =	stream.indirect_vreg.scatter [tilespmem:s8], [sflag:$0x1], $0x80, v4, vm0, $0xb8;
	[tilespmem:$0xC100] =	vst v63  }
0x2a: {  	s9 =	simm.s32 $0x900;
	v3 =	vadd.s32 v1, v3  }
0x2b: {  	[hbm4b:s4+s2] =	stream.indirect_vreg.scatter [tilespmem:s9], [sflag:$0x1], $0x80, v4, vm0, $0xb8;
	[tilespmem:$0xC100] =	vst v63  }
0x2c: {  	s10 =	simm.s32 $0x1100  }
0x2d: {  	[hbm4b:s5+s2] =	stream.indirect_vreg.scatter [tilespmem:s10], [sflag:$0x1], $0x80, v4, vm0, $0xb8;
	[tilespmem:$0xC100] =	vst v63  }
0x2e: {  	_ = 	snop  }
0x2f: {  	[hbm4b:s3+s2] =	stream.indirect_vreg.scatter [tilespmem:s11], [sflag:$0x1], $0x80, v3, vm0, $0xb8;
	[tilespmem:$0xC100] =	vst v63  }
0x30: {  	_ = 	snop  }
0x31: {  	[hbm4b:s4+s2] =	stream.indirect_vreg.scatter [tilespmem:s12], [sflag:$0x1], $0x80, v3, vm0, $0xb8;
	[tilespmem:$0xC100] =	vst v63  }
0x32: {  	_ = 	snop  }
0x33: {  	[hbm4b:s5+s2] =	stream.indirect_vreg.scatter [tilespmem:s13], [sflag:$0x1], $0x80, v3, vm0, $0xb8;
	[tilespmem:$0xC100] =	vst v63  }
0x34: {  	v3 =	vld [tilespmem:$0x10];
	_ =	sdelay $0x4  }
0x35: {  	v57 =	vshrl.u32 v3, $0x3  }
0x36: {  	v4 =	vmul.u32 $0x30, v57  }
0x37: {  	v3 =	vand.u32 $0x7, v3  }
0x38: {  	v3 =	vor.u32 v3, v4  }
0x39: {  	v4 =	vperm.xlane v3, v0;
	_ =	sdelay $0x1  }
0x3a: {  	v4 =	vadd.s32 v1, v4;
	_ =	sdelay $0x3  }
0x3b: {  	v3 =	vperm.xlane v3, v2  }
0x3c: {  	[hbm4b:s3+s2] =	stream.indirect_vreg.scatter [tilespmem:s14], [sflag:$0x1], $0x80, v4, vm0, $0xb8;
	[tilespmem:$0xC100] =	vst v63  }
0x3d: {  	v3 =	vadd.s32 v1, v3  }
0x3e: {  	[hbm4b:s4+s2] =	stream.indirect_vreg.scatter [tilespmem:s15], [sflag:$0x1], $0x80, v4, vm0, $0xb8;
	[tilespmem:$0xC100] =	vst v63  }
0x3f: {  	_ = 	snop  }
0x40: {  	[hbm4b:s5+s2] =	stream.indirect_vreg.scatter [tilespmem:s16], [sflag:$0x1], $0x80, v4, vm0, $0xb8;
	[tilespmem:$0xC100] =	vst v63  }
0x41: {  	_ = 	snop  }
0x42: {  	[hbm4b:s3+s2] =	stream.indirect_vreg.scatter [tilespmem:s17], [sflag:$0x1], $0x80, v3, vm0, $0xb8;
	[tilespmem:$0xC100] =	vst v63  }
0x43: {  	_ = 	snop  }
0x44: {  	[hbm4b:s4+s2] =	stream.indirect_vreg.scatter [tilespmem:s18], [sflag:$0x1], $0x80, v3, vm0, $0xb8;
	[tilespmem:$0xC100] =	vst v63  }
0x45: {  	_ = 	snop  }
0x46: {  	[hbm4b:s5+s2] =	stream.indirect_vreg.scatter [tilespmem:s19], [sflag:$0x1], $0x80, v3, vm0, $0xb8;
	[tilespmem:$0xC100] =	vst v63  }
0x47: {  	v3 =	vld [tilespmem:$0x20];
	_ =	sdelay $0x4  }
0x48: {  	v58 =	vshrl.u32 v3, $0x3  }
0x49: {  	v4 =	vmul.u32 $0x30, v58  }
0x4a: {  	v3 =	vand.u32 $0x7, v3  }
0x4b: {  	v3 =	vor.u32 v3, v4  }
0x4c: {  	v4 =	vperm.xlane v3, v0;
	_ =	sdelay $0x1  }
0x4d: {  	v4 =	vadd.s32 v1, v4;
	_ =	sdelay $0x3  }
0x4e: {  	v3 =	vperm.xlane v3, v2  }
0x4f: {  	[hbm4b:s3+s2] =	stream.indirect_vreg.scatter [tilespmem:s20], [sflag:$0x1], $0x80, v4, vm0, $0xb8;
	[tilespmem:$0xC100] =	vst v63  }
0x50: {  	v3 =	vadd.s32 v1, v3  }
0x51: {  	[hbm4b:s4+s2] =	stream.indirect_vreg.scatter [tilespmem:s21], [sflag:$0x1], $0x80, v4, vm0, $0xb8;
	[tilespmem:$0xC100] =	vst v63  }
0x52: {  	_ = 	snop  }
0x53: {  	[hbm4b:s5+s2] =	stream.indirect_vreg.scatter [tilespmem:s22], [sflag:$0x1], $0x80, v4, vm0, $0xb8;
	[tilespmem:$0xC100] =	vst v63  }
0x54: {  	_ = 	snop  }
0x55: {  	[hbm4b:s3+s2] =	stream.indirect_vreg.scatter [tilespmem:s23], [sflag:$0x1], $0x80, v3, vm0, $0xb8;
	[tilespmem:$0xC100] =	vst v63  }
0x56: {  	_ = 	snop  }
0x57: {  	[hbm4b:s4+s2] =	stream.indirect_vreg.scatter [tilespmem:s24], [sflag:$0x1], $0x80, v3, vm0, $0xb8;
	[tilespmem:$0xC100] =	vst v63  }
0x58: {  	_ = 	snop  }
0x59: {  	[hbm4b:s5+s2] =	stream.indirect_vreg.scatter [tilespmem:s25], [sflag:$0x1], $0x80, v3, vm0, $0xb8;
	[tilespmem:$0xC100] =	vst v63  }
0x5a: {  	v3 =	vld [tilespmem:$0x30];
	_ =	sdelay $0x4  }
0x5b: {  	v59 =	vshrl.u32 v3, $0x3  }
0x5c: {  	v4 =	vmul.u32 $0x30, v59  }
0x5d: {  	v3 =	vand.u32 $0x7, v3  }
0x5e: {  	v3 =	vor.u32 v3, v4  }
0x5f: {  	v4 =	vperm.xlane v3, v0;
	_ =	sdelay $0x1  }
0x60: {  	v4 =	vadd.s32 v1, v4;
	_ =	sdelay $0x3  }
0x61: {  	v3 =	vperm.xlane v3, v2  }
0x62: {  	[hbm4b:s3+s2] =	stream.indirect_vreg.scatter [tilespmem:s26], [sflag:$0x1], $0x80, v4, vm0, $0xb8;
	[tilespmem:$0xC100] =	vst v63  }
0x63: {  	v3 =	vadd.s32 v1, v3  }
0x64: {  	[hbm4b:s4+s2] =	stream.indirect_vreg.scatter [tilespmem:s28], [sflag:$0x1], $0x80, v4, vm0, $0xb8;
	[tilespmem:$0xC100] =	vst v63  }
0x65: {  	_ = 	snop  }
0x66: {  	[hbm4b:s5+s2] =	stream.indirect_vreg.scatter [tilespmem:s29], [sflag:$0x1], $0x80, v4, vm0, $0xb8;
	[tilespmem:$0xC100] =	vst v63  }
0x67: {  	_ = 	snop  }
0x68: {  	[hbm4b:s3+s2] =	stream.indirect_vreg.scatter [tilespmem:s30], [sflag:$0x1], $0x80, v3, vm0, $0xb8;
	[tilespmem:$0xC100] =	vst v63  }
0x69: {  	_ = 	snop  }
0x6a: {  	[hbm4b:s4+s2] =	stream.indirect_vreg.scatter [tilespmem:s31], [sflag:$0x1], $0x80, v3, vm0, $0xb8;
	[tilespmem:$0xC100] =	vst v63  }
0x6b: {  	_ = 	snop  }
0x6c: {  	[hbm4b:s5+s2] =	stream.indirect_vreg.scatter [tilespmem:s0], [sflag:$0x1], $0x80, v3, vm0, $0xb8;
	[tilespmem:$0xC100] =	vst v63  }
0x6d: {  	v3 =	vld [tilespmem:$0x80];
	_ =	sdelay $0x4  }
0x6e: {  	v60 =	vshrl.u32 v3, $0x3  }
0x6f: {  	v4 =	vmul.u32 $0x30, v60  }
0x70: {  	v3 =	vand.u32 $0x7, v3  }
0x71: {  	v3 =	vor.u32 v3, v4  }
0x72: {  	v4 =	vperm.xlane v3, v0;
	_ =	sdelay $0x1  }
0x73: {  	v4 =	vadd.s32 v1, v4;
	_ =	sdelay $0x3  }
0x74: {  	v3 =	vperm.xlane v3, v2  }
0x75: {  	[hbm4b:s3+s2] =	stream.indirect_vreg.scatter [tilespmem:s8], [sflag:$0x1], $0x80, v4, vm0, $0xb8;
	[tilespmem:$0xC100] =	vst v63  }
0x76: {  	v3 =	vadd.s32 v1, v3  }
0x77: {  	[hbm4b:s4+s2] =	stream.indirect_vreg.scatter [tilespmem:s9], [sflag:$0x1], $0x80, v4, vm0, $0xb8;
	[tilespmem:$0xC100] =	vst v63  }
0x78: {  	_ = 	snop  }
0x79: {  	[hbm4b:s5+s2] =	stream.indirect_vreg.scatter [tilespmem:s10], [sflag:$0x1], $0x80, v4, vm0, $0xb8;
	[tilespmem:$0xC100] =	vst v63  }
0x7a: {  	_ = 	snop  }
0x7b: {  	[hbm4b:s3+s2] =	stream.indirect_vreg.scatter [tilespmem:s11], [sflag:$0x1], $0x80, v3, vm0, $0xb8;
	[tilespmem:$0xC100] =	vst v63  }
0x7c: {  	_ = 	snop  }
0x7d: {  	[hbm4b:s4+s2] =	stream.indirect_vreg.scatter [tilespmem:s12], [sflag:$0x1], $0x80, v3, vm0, $0xb8;
	[tilespmem:$0xC100] =	vst v63  }
0x7e: {  	_ = 	snop  }
0x7f: {  	[hbm4b:s5+s2] =	stream.indirect_vreg.scatter [tilespmem:s13], [sflag:$0x1], $0x80, v3, vm0, $0xb8;
	[tilespmem:$0xC100] =	vst v63  }
0x80: {  	v3 =	vld [tilespmem:$0x90];
	_ =	sdelay $0x4  }
0x81: {  	v61 =	vshrl.u32 v3, $0x3  }
0x82: {  	v4 =	vmul.u32 $0x30, v61  }
0x83: {  	v3 =	vand.u32 $0x7, v3  }
0x84: {  	v3 =	vor.u32 v3, v4  }
0x85: {  	v4 =	vperm.xlane v3, v0;
	_ =	sdelay $0x1  }
0x86: {  	v4 =	vadd.s32 v1, v4;
	_ =	sdelay $0x3  }
0x87: {  	v3 =	vperm.xlane v3, v2  }
0x88: {  	[hbm4b:s3+s2] =	stream.indirect_vreg.scatter [tilespmem:s14], [sflag:$0x1], $0x80, v4, vm0, $0xb8;
	[tilespmem:$0xC100] =	vst v63  }
0x89: {  	v3 =	vadd.s32 v1, v3  }
0x8a: {  	[hbm4b:s4+s2] =	stream.indirect_vreg.scatter [tilespmem:s15], [sflag:$0x1], $0x80, v4, vm0, $0xb8;
	[tilespmem:$0xC100] =	vst v63  }
0x8b: {  	_ = 	snop  }
0x8c: {  	[hbm4b:s5+s2] =	stream.indirect_vreg.scatter [tilespmem:s16], [sflag:$0x1], $0x80, v4, vm0, $0xb8;
	[tilespmem:$0xC100] =	vst v63  }
0x8d: {  	_ = 	snop  }
0x8e: {  	[hbm4b:s3+s2] =	stream.indirect_vreg.scatter [tilespmem:s17], [sflag:$0x1], $0x80, v3, vm0, $0xb8;
	[tilespmem:$0xC100] =	vst v63  }
0x8f: {  	_ = 	snop  }
0x90: {  	[hbm4b:s4+s2] =	stream.indirect_vreg.scatter [tilespmem:s18], [sflag:$0x1], $0x80, v3, vm0, $0xb8;
	[tilespmem:$0xC100] =	vst v63  }
0x91: {  	_ = 	snop  }
0x92: {  	[hbm4b:s5+s2] =	stream.indirect_vreg.scatter [tilespmem:s19], [sflag:$0x1], $0x80, v3, vm0, $0xb8;
	[tilespmem:$0xC100] =	vst v63  }
0x93: {  	v3 =	vld [tilespmem:$0xA0];
	_ =	sdelay $0x4  }
0x94: {  	v62 =	vshrl.u32 v3, $0x3  }
0x95: {  	v4 =	vmul.u32 $0x30, v62  }
0x96: {  	v3 =	vand.u32 $0x7, v3  }
0x97: {  	v3 =	vor.u32 v3, v4  }
0x98: {  	v4 =	vperm.xlane v3, v0;
	_ =	sdelay $0x1  }
0x99: {  	v4 =	vadd.s32 v1, v4;
	_ =	sdelay $0x3  }
0x9a: {  	v3 =	vperm.xlane v3, v2  }
0x9b: {  	[hbm4b:s3+s2] =	stream.indirect_vreg.scatter [tilespmem:s20], [sflag:$0x1], $0x80, v4, vm0, $0xb8;
	[tilespmem:$0xC100] =	vst v63  }
0x9c: {  	v3 =	vadd.s32 v1, v3  }
0x9d: {  	[hbm4b:s4+s2] =	stream.indirect_vreg.scatter [tilespmem:s21], [sflag:$0x1], $0x80, v4, vm0, $0xb8;
	[tilespmem:$0xC100] =	vst v63  }
0x9e: {  	_ = 	snop  }
0x9f: {  	[hbm4b:s5+s2] =	stream.indirect_vreg.scatter [tilespmem:s22], [sflag:$0x1], $0x80, v4, vm0, $0xb8;
	[tilespmem:$0xC100] =	vst v63  }
0xa0: {  	_ = 	snop  }
0xa1: {  	[hbm4b:s3+s2] =	stream.indirect_vreg.scatter [tilespmem:s23], [sflag:$0x1], $0x80, v3, vm0, $0xb8;
	[tilespmem:$0xC100] =	vst v63  }
0xa2: {  	_ = 	snop  }
0xa3: {  	[hbm4b:s4+s2] =	stream.indirect_vreg.scatter [tilespmem:s24], [sflag:$0x1], $0x80, v3, vm0, $0xb8;
	[tilespmem:$0xC100] =	vst v63  }
0xa4: {  	_ = 	snop  }
0xa5: {  	[hbm4b:s5+s2] =	stream.indirect_vreg.scatter [tilespmem:s25], [sflag:$0x1], $0x80, v3, vm0, $0xb8;
	[tilespmem:$0xC100] =	vst v63  }
0xa6: {  	v3 =	vld [tilespmem:$0xB0];
	_ =	sdelay $0x4  }
0xa7: {  	v63 =	vshrl.u32 v3, $0x3  }
0xa8: {  	v4 =	vmul.u32 $0x30, v63  }
0xa9: {  	v3 =	vand.u32 $0x7, v3  }
0xaa: {  	v3 =	vor.u32 v3, v4  }
0xab: {  	v4 =	vperm.xlane v3, v0;
	_ =	sdelay $0x1  }
0xac: {  	v4 =	vadd.s32 v1, v4;
	_ =	sdelay $0x3  }
0xad: {  	v3 =	vperm.xlane v3, v2  }
0xae: {  	[hbm4b:s3+s2] =	stream.indirect_vreg.scatter [tilespmem:s26], [sflag:$0x1], $0x80, v4, vm0, $0xb8;
	[tilespmem:$0xC100] =	vst v63  }
0xaf: {  	v3 =	vadd.s32 v1, v3  }
0xb0: {  	[hbm4b:s4+s2] =	stream.indirect_vreg.scatter [tilespmem:s28], [sflag:$0x1], $0x80, v4, vm0, $0xb8;
	[tilespmem:$0xC100] =	vst v63  }
0xb1: {  	_ = 	snop  }
0xb2: {  	[hbm4b:s5+s2] =	stream.indirect_vreg.scatter [tilespmem:s29], [sflag:$0x1], $0x80, v4, vm0, $0xb8;
	[tilespmem:$0xC100] =	vst v63  }
0xb3: {  	_ = 	snop  }
0xb4: {  	[hbm4b:s3+s2] =	stream.indirect_vreg.scatter [tilespmem:s30], [sflag:$0x1], $0x80, v3, vm0, $0xb8;
	[tilespmem:$0xC100] =	vst v63  }
0xb5: {  	_ = 	snop  }
0xb6: {  	[hbm4b:s4+s2] =	stream.indirect_vreg.scatter [tilespmem:s31], [sflag:$0x1], $0x80, v3, vm0, $0xb8;
	[tilespmem:$0xC100] =	vst v63  }
0xb7: {  	_ = 	snop  }
0xb8: {  	[hbm4b:s5+s2] =	stream.indirect_vreg.scatter [tilespmem:s0], [sflag:$0x1], $0x80, v3, vm0, $0xb8;
	[tilespmem:$0xC100] =	vst v63  }
0xb9: {  	p0 =	sne.s32 s6, $0x1;
	_ =	swait.ge [sflag:s1], $0xC000  }
.Ltmp0:
0xba: {  	[sflag:s1] =	ssyncset.done $0x0;
	(pc) =	sbr.rel @p0 .LBB2_1-.Ltmp0, $4  }
0xbb: {  	[sflag:s1] =	ssyncadd.s32 $0xFFFF4000  }
0xbc: {  	_ =	swait.ge [sflag:s1], $0xC000  }
0xbd: {  	[sflag:s1] =	ssyncset.done $0x0  }
0xbe: {  	s6 =	sadd.s32 $0xFFFFFFFF, s6;
	[sflag:s1] =	ssyncadd.s32 $0xFFFF4000  }
0xbf: {  	_ =	sfence.sel $0x180000  }
0xc0: {  	[bflag:$0x0] =	sbarrier.arrive $0xFFFF  }
0xc1: {  	_ =	strace $0x90000047  }
0xc2: {  	s0 =	stileid.u32;
	[bflag:$0x2] =	sbarrier.arrive $0xFFFF  }
0xc3: {  	p0 =	sne.s32 s0, $0x0;
	s0 =	rddreg [dreg:$0x2]  }
0xc4: {  	s0 =	sadd.s32 @!p0 $0x100000, s0  }
0xc5: {  	[sflag:s0] =	ssyncadd.tile.s32 @!p0 $0x1;
	_ =	shalt  }
.Lfunc_end2:
_tile_overlayer_lowered:
.L_overlay_start_2:
0xc6: {  	(tag) =	ssettag $0x2  }
0xc7: {  	s0 =	rddreg [dreg:$0x0];
	s2 =	stileid.u32  }
0xc8: {  	s1 =	rddreg [dreg:$0x1];
	p0 =	sne.s32 s2, $0x0  }
0xc9: {  	s3 =	rddreg [dreg:$0x2];
	[bflag:$0x3] =	sbarrier.arrive $0xFFFF;
	s2 =	simm.s32 @!p0 $0x1C02  }
0xca: {  	[timem:s3], [sflag:s2] =	dma.local @!p0 [hbm:s0], s1  }
0xcb: {  	s0 =	simm.s32 @!p0 $0x2  }
0xcc: {  	_ =	swait.ge @!p0 [sflag:s0], s1  }
0xcd: {  	s1 =	ssub.s32 @!p0 $0x0, s1;
	[sflag:s0] =	ssyncset.done @!p0 $0x0  }
0xce: {  	[sflag:s0] =	ssyncadd.s32 @!p0 s1  }
0xcf: {  	[bflag:$0x3] =	sbarrier.arrive $0xFFFF  }
0xd0: {  	_ =	shalt  }

</sc_bundles>
